<compile_context>
chip_gen: v7x
topology: tpu7x:2x2x1
jax: 0.10.2.dev20260603
libtpu: 0.0.44.dev20260713+nightly
codegen_flags: <defaults>
</compile_context>

<pallas_src>
import functools

import jax
import jax.numpy as jnp
from jax import lax
from jax.experimental import pallas as pl
from jax.experimental.pallas import tpu as pltpu
from jax.experimental.pallas import tpu_sc as plsc

NC = 2
NS = 16
L = 16
NW = NC * NS
K = 80


def _sc_mesh():
    return plsc.VectorSubcoreMesh(core_axis_name="c", subcore_axis_name="s",
                                  num_cores=NC, num_subcores=NS)


@functools.lru_cache(maxsize=None)
def _make_deg_kernel(E, NP):
    EPW = E // NW
    KP = K
    NCH = EPW // KP
    RPT = NP // NS

    W = 8

    @functools.partial(
        pl.kernel,
        out_type=jax.ShapeDtypeStruct((NC, NP), jnp.float32),
        mesh=_sc_mesh(),
        compiler_params=pltpu.CompilerParams(needs_layout_passes=False),
        scratch_types=[
            pltpu.VMEM((KP,), jnp.float32),
            pltpu.VMEM((NCH, KP), jnp.int32),
            pltpu.VMEM((RPT,), jnp.float32),
            pltpu.VMEM_SHARED((NP,), jnp.float32),
            pltpu.SemaphoreType.DMA,
        ],
    )
    def deg_kernel(dst_hbm, out_hbm, ones_v, dstv, zbuf, acc, sem):
        cid = lax.axis_index("c")
        sid = lax.axis_index("s")
        w = cid * NS + sid

        pltpu.sync_copy(dst_hbm.at[w], dstv)

        def fill_zero(i, _):
            zbuf[pl.ds(i * L, L)] = jnp.zeros((L,), jnp.float32)
            return 0

        lax.fori_loop(0, RPT // L, fill_zero, 0)

        def fill_one(i, _):
            ones_v[pl.ds(i * L, L)] = jnp.ones((L,), jnp.float32)
            return 0

        lax.fori_loop(0, KP // L, fill_one, 0)

        pltpu.sync_copy(zbuf, acc.at[pl.ds(sid * RPT, RPT)])
        plsc.subcore_barrier()

        def drain_one():
            pltpu.make_async_copy(out_hbm.at[cid, pl.ds(0, KP)], ones_v,
                                  sem).wait()

        def step(j, _):
            pltpu.async_copy(ones_v, acc.at[dstv.at[j]], sem, add=True)

            @pl.when(j >= W)
            def _():
                drain_one()

            return 0

        lax.fori_loop(0, NCH, step, 0)

        def drain(j, _):
            drain_one()
            return 0

        lax.fori_loop(0, W, drain, 0)
        plsc.subcore_barrier()
        pltpu.sync_copy(acc.at[pl.ds(sid * RPT, RPT)],
                        out_hbm.at[cid, pl.ds(sid * RPT, RPT)])

    return deg_kernel


@functools.lru_cache(maxsize=None)
def _make_agg_kernel(E, NP, D):
    EPW = E // NW
    NCH = EPW // K
    RPT = NP // NS

    @functools.partial(
        pl.kernel,
        out_type=jax.ShapeDtypeStruct((NC, NP, D), jnp.float32),
        mesh=_sc_mesh(),
        compiler_params=pltpu.CompilerParams(needs_layout_passes=False),
        scratch_types=[
            pltpu.VMEM((EPW,), jnp.int32),
            pltpu.VMEM((NCH, K), jnp.int32),
            pltpu.VMEM((K, D), jnp.float32),
            pltpu.VMEM((K, D), jnp.float32),
            pltpu.VMEM_SHARED((NP, D), jnp.float32),
            pltpu.SemaphoreType.DMA,
            pltpu.SemaphoreType.DMA,
            pltpu.SemaphoreType.DMA,
        ],
    )
    def agg_kernel(hs_hbm, src_hbm, dst_hbm, out_hbm,
                   srcv, dstv, rows0, rows1, acc, sem0, sem1, semz):
        cid = lax.axis_index("c")
        sid = lax.axis_index("s")
        w = cid * NS + sid

        pltpu.sync_copy(src_hbm.at[pl.ds(w * EPW, EPW)], srcv)
        pltpu.async_copy(hs_hbm.at[srcv.at[pl.ds(0, K)]], rows0, sem0)
        pltpu.sync_copy(dst_hbm.at[w], dstv)

        def fill_zero(i, _):
            def fill_row(k, _):
                rows1[i, pl.ds(k * L, L)] = jnp.zeros((L,), jnp.float32)
                return 0
            lax.fori_loop(0, D // L, fill_row, 0)
            return 0

        lax.fori_loop(0, K, fill_zero, 0)

        def zero_acc(t, _):
            pltpu.sync_copy(rows1, acc.at[pl.ds(sid * RPT + t * K, K)])
            return 0

        lax.fori_loop(0, RPT // K, zero_acc, 0)
        plsc.subcore_barrier()

        pltpu.async_copy(hs_hbm.at[srcv.at[pl.ds(K, K)]], rows1, sem1)

        def pair(t, _):
            j0 = 2 * t
            pltpu.make_async_copy(hs_hbm.at[srcv.at[pl.ds(j0 * K, K)]], rows0, sem0).wait()
            pltpu.sync_copy(rows0, acc.at[dstv.at[j0]], add=True)

            @pl.when(j0 + 2 < NCH)
            def _():
                pltpu.async_copy(hs_hbm.at[srcv.at[pl.ds((j0 + 2) * K, K)]], rows0, sem0)

            pltpu.make_async_copy(hs_hbm.at[srcv.at[pl.ds((j0 + 1) * K, K)]], rows1, sem1).wait()
            pltpu.sync_copy(rows1, acc.at[dstv.at[j0 + 1]], add=True)

            @pl.when(j0 + 3 < NCH)
            def _():
                pltpu.async_copy(hs_hbm.at[srcv.at[pl.ds((j0 + 3) * K, K)]], rows1, sem1)

            return 0

        lax.fori_loop(0, NCH // 2, pair, 0)
        if NCH % 2 == 1:
            jl = NCH - 1
            pltpu.make_async_copy(hs_hbm.at[srcv.at[pl.ds(jl * K, K)]], rows0, sem0).wait()
            pltpu.sync_copy(rows0, acc.at[dstv.at[jl]], add=True)

        plsc.subcore_barrier()
        pltpu.sync_copy(acc.at[pl.ds(sid * RPT, RPT)],
                        out_hbm.at[cid, pl.ds(sid * RPT, RPT)])

    return agg_kernel


@functools.lru_cache(maxsize=None)
def _make_sagg_kernel(E, NP):
    EPW = E // NW
    KP = K
    NCH = EPW // KP
    RPT = NP // NS

    W = 8

    @functools.partial(
        pl.kernel,
        out_type=jax.ShapeDtypeStruct((NC, NP), jnp.float32),
        mesh=_sc_mesh(),
        compiler_params=pltpu.CompilerParams(needs_layout_passes=False),
        scratch_types=[
            pltpu.VMEM((NP,), jnp.float32),
            pltpu.VMEM((EPW,), jnp.int32),
            pltpu.VMEM((NCH, KP), jnp.int32),
            pltpu.VMEM((NCH, KP), jnp.float32),
            pltpu.VMEM((RPT,), jnp.float32),
            pltpu.VMEM_SHARED((NP,), jnp.float32),
            pltpu.SemaphoreType.DMA,
        ],
    )
    def sagg_kernel(zs_hbm, src_hbm, dst_hbm, out_hbm,
                    zsv, srcv, dstv, vals, zbuf, acc, sem):
        cid = lax.axis_index("c")
        sid = lax.axis_index("s")
        w = cid * NS + sid

        pltpu.sync_copy(zs_hbm, zsv)
        pltpu.sync_copy(src_hbm.at[pl.ds(w * EPW, EPW)], srcv)
        pltpu.sync_copy(dst_hbm.at[w], dstv)

        def fill_zero(i, _):
            zbuf[pl.ds(i * L, L)] = jnp.zeros((L,), jnp.float32)
            return 0

        lax.fori_loop(0, RPT // L, fill_zero, 0)
        pltpu.sync_copy(zbuf, acc.at[pl.ds(sid * RPT, RPT)])
        plsc.subcore_barrier()

        def drain_one():
            pltpu.make_async_copy(zs_hbm.at[pl.ds(0, KP)],
                                  zbuf.at[pl.ds(0, KP)], sem).wait()

        def step(j, _):
            def gath(i, _):
                idx16 = srcv[pl.ds(j * KP + i * L, L)]
                vals[j, pl.ds(i * L, L)] = plsc.load_gather(zsv, [idx16])
                return 0

            lax.fori_loop(0, KP // L, gath, 0)
            pltpu.sync_copy(vals.at[j], acc.at[dstv.at[j]], add=True)
            return 0

        lax.fori_loop(0, NCH, step, 0)
        plsc.subcore_barrier()
        pltpu.sync_copy(acc.at[pl.ds(sid * RPT, RPT)],
                        out_hbm.at[cid, pl.ds(sid * RPT, RPT)])

    return sagg_kernel


def _tc_hs_body(x_ref, w_ref, dp_ref, hs_ref, r_ref):
    NP, D = hs_ref.shape
    deg = dp_ref[0, :] + dp_ref[1, :] + 1.0
    rv = 1.0 / jnp.sqrt(deg)
    h = jnp.dot(x_ref[...].astype(jnp.bfloat16),
                w_ref[...].astype(jnp.bfloat16),
                preferred_element_type=jnp.float32)
    rb = lax.broadcast_in_dim(rv, (NP, D), (0,))
    hs_ref[...] = h * rb
    r_ref[...] = rv


def _tc_hs(xp, W1, degp):
    NP, D = xp.shape
    return pl.pallas_call(
        _tc_hs_body,
        out_shape=(jax.ShapeDtypeStruct((NP, D), jnp.float32),
                   jax.ShapeDtypeStruct((NP,), jnp.float32)),
    )(xp, W1, degp)


def _tc_zs_body(p_ref, hs_ref, r_ref, b1_ref, w2_ref, zs_ref):
    NP, D = hs_ref.shape
    s = p_ref[0] + p_ref[1] + hs_ref[...]
    rv = r_ref[...]
    rb = lax.broadcast_in_dim(rv, (NP, D), (0,))
    b1b = lax.broadcast_in_dim(b1_ref[...], (NP, D), (1,))
    h1 = jnp.maximum(s * rb + b1b, 0.0)
    h1q = h1.astype(jnp.bfloat16).astype(jnp.float32)
    w2q = w2_ref[...].astype(jnp.bfloat16).astype(jnp.float32)
    w2b = lax.broadcast_in_dim(w2q, (NP, D), (1,))
    z = jnp.sum(h1q * w2b, axis=1)
    zs_ref[...] = z * rv


def _tc_zs(P, hs, r, b1, w2):
    NP = hs.shape[0]
    return pl.pallas_call(
        _tc_zs_body,
        out_shape=jax.ShapeDtypeStruct((NP,), jnp.float32),
    )(P, hs, r, b1, w2)


def _tc_out_body(q_ref, zs_ref, r_ref, b2_ref, o_ref):
    s = q_ref[0] + q_ref[1] + zs_ref[...]
    o_ref[...] = s * r_ref[...] + b2_ref[...]


def _tc_out(Q, zs, r, b2):
    NP = zs.shape[0]
    return pl.pallas_call(
        _tc_out_body,
        out_shape=jax.ShapeDtypeStruct((NP,), jnp.float32),
    )(Q, zs, r, b2)


def kernel(x, edge_index, W1, b1, W2, b2):
    N, D = x.shape
    E = edge_index.shape[1]
    NP = ((N + 511) // 512) * 512

    src = edge_index[0]
    dst = edge_index[1]
    xp = jnp.pad(x, ((0, NP - N), (0, 0)))
    w2 = W2[:, 0]

    NCH = E // NW // K
    dst3 = dst.reshape(NW, NCH, K)

    degp = _make_deg_kernel(E, NP)(dst3)
    hs, r = _tc_hs(xp, W1, degp)
    P = _make_agg_kernel(E, NP, D)(hs, src, dst3)
    zs = _tc_zs(P, hs, r, b1, w2)
    Q = _make_sagg_kernel(E, NP)(zs, src, dst3)
    out = _tc_out(Q, zs, r, b2)
    return out[:N]

# --- scband reference (transcript-rebuilt; emitter-appended) ---
"""Pipeline reference for scband-gnncustomized-90099823935520 (READ-ONLY COPY).

The authoritative reference and input builder live on the scoring server;
editing this copy changes nothing except your own understanding.
"""

import jax, jax.numpy as jnp
import numpy as np

N = 10000
E = 320000
D_IN = 128
D_HID = 128
D_OUT = 1


def gcn_conv(x, edge_index, W, b):
    # Faithful GCNConv: add self-loops, symmetric degree normalization,
    # linear transform, scatter-add aggregation, bias.
    num_nodes = x.shape[0]
    loop = jnp.arange(num_nodes, dtype=edge_index.dtype)
    src = jnp.concatenate([edge_index[0], loop])
    dst = jnp.concatenate([edge_index[1], loop])
    deg = jax.ops.segment_sum(jnp.ones_like(src, dtype=x.dtype), dst, num_segments=num_nodes)
    deg_inv_sqrt = jnp.where(deg > 0, 1.0 / jnp.sqrt(deg), 0.0)
    norm = deg_inv_sqrt[src] * deg_inv_sqrt[dst]
    h = x @ W  # [N, d_out]
    msgs = h[src] * norm[:, None]  # gather by src
    out = jax.ops.segment_sum(msgs, dst, num_segments=num_nodes)  # scatter-add by dst
    return out + b


def setup_inputs(seed: int = 0) -> dict:
    key = jax.random.key(seed)
    k1, k2, k3, k4 = jax.random.split(key, 4)
    x = jax.random.normal(k1, (N, D_IN), dtype=jnp.float32)
    edge_index = jax.random.randint(k2, (2, E), 0, N, dtype=jnp.int32)
    # Glorot-style init for GCNConv weights, zero bias (PyG default)
    W1 = jax.random.normal(k3, (D_IN, D_HID), dtype=jnp.float32) * (1.0 / np.sqrt(D_IN))
    b1 = jnp.zeros((D_HID,), dtype=jnp.float32)
    W2 = jax.random.normal(k4, (D_HID, D_OUT), dtype=jnp.float32) * (1.0 / np.sqrt(D_HID))
    b2 = jnp.zeros((D_OUT,), dtype=jnp.float32)
    return {"x": x, "edge_index": edge_index, "W1": W1, "b1": b1, "W2": W2, "b2": b2}


def reference(x, edge_index, W1, b1, W2, b2):
    h = jax.nn.relu(gcn_conv(x, edge_index, W1, b1))
    out = gcn_conv(h, edge_index, W2, b2)
    return jnp.squeeze(out, -1)  # [N]

if __name__ == "__main__":
    import jax
    _d = setup_inputs()
    print(jax.jit(kernel)(*tuple(_d.values())))

</pallas_src>

<mosaic_0001>
#map = affine_map<(d0, d1) -> (0, 0, 0)>
#map1 = affine_map<(d0, d1) -> (0, 0)>
module attributes {stable_mosaic.version = 14 : i64} {
  func.func @deg_kernel(%arg0: i32, %arg1: i32, %arg2: memref<32x125x80xi32, #tpu.memory_space<hbm>>, %arg3: memref<2x10240xf32, #tpu.memory_space<hbm>>, %arg4: memref<80xf32, #tpu.memory_space<vmem>>, %arg5: memref<125x80xi32, #tpu.memory_space<vmem>>, %arg6: memref<640xf32, #tpu.memory_space<vmem>>, %arg7: memref<10240xf32, #tpu.memory_space<vmem_shared>>, %arg8: memref<!tpu.dma_semaphore, #tpu.memory_space<semaphore_mem>>) attributes {dimension_semantics = [#tpu.dimension_semantics<core_parallel>, #tpu.dimension_semantics<subcore_parallel>], iteration_bounds = array<i64: 2, 16>, scalar_prefetch = 0 : i64, scratch_operands = 5 : i64, tpu.core_type = #tpu.core_type<sc_vector_subcore>, window_params = [{transform_indices = #map}, {transform_indices = #map1}]} {
    %mul3A = arith.constant 16 : i32
    %mul3A_0 = arith.muli %arg0, %mul3A : i32
    %add3A = arith.addi %mul3A_0, %arg1 : i32
    "tpu.region"() ({
      %run_scoped3A = tpu.sem_alloc : memref<!tpu.dma_semaphore, #tpu.memory_space<semaphore_mem>>
      %dma_start3A = arith.constant 0 : i32
      %dma_start3A_35 = arith.constant 0 : i32
      %dma_start3A_36 = tpu.memref_slice %arg2[%add3A, %dma_start3A, %dma_start3A_35] : memref<32x125x80xi32, #tpu.memory_space<hbm>> -> memref<1x125x80xi32, #tpu.memory_space<hbm>>
      %dma_start3A_37 = tpu.memref_squeeze %dma_start3A_36 : memref<1x125x80xi32, #tpu.memory_space<hbm>> -> memref<125x80xi32, #tpu.memory_space<hbm>>
      %dma_start3A_38 = arith.constant 0 : i32
      %dma_start3A_39 = arith.constant 0 : i32
      %dma_start3A_40 = tpu.memref_slice %arg2[%add3A, %dma_start3A_38, %dma_start3A_39] : memref<32x125x80xi32, #tpu.memory_space<hbm>> -> memref<1x125x80xi32, #tpu.memory_space<hbm>>
      %dma_start3A_41 = tpu.memref_squeeze %dma_start3A_40 : memref<1x125x80xi32, #tpu.memory_space<hbm>> -> memref<125x80xi32, #tpu.memory_space<hbm>>
      tpu.enqueue_dma source(%dma_start3A_41 : memref<125x80xi32, #tpu.memory_space<hbm>>) target(%arg5 : memref<125x80xi32, #tpu.memory_space<vmem>>) target_semaphore(%run_scoped3A : memref<!tpu.dma_semaphore, #tpu.memory_space<semaphore_mem>>)
      %dma_wait3A = arith.constant 0 : i32
      %dma_wait3A_42 = arith.constant 0 : i32
      %dma_wait3A_43 = tpu.memref_slice %arg2[%add3A, %dma_wait3A, %dma_wait3A_42] : memref<32x125x80xi32, #tpu.memory_space<hbm>> -> memref<1x125x80xi32, #tpu.memory_space<hbm>>
      %dma_wait3A_44 = tpu.memref_squeeze %dma_wait3A_43 : memref<1x125x80xi32, #tpu.memory_space<hbm>> -> memref<125x80xi32, #tpu.memory_space<hbm>>
      %dma_wait3A_45 = arith.constant 0 : i32
      %dma_wait3A_46 = arith.constant 0 : i32
      %dma_wait3A_47 = tpu.memref_slice %arg2[%add3A, %dma_wait3A_45, %dma_wait3A_46] : memref<32x125x80xi32, #tpu.memory_space<hbm>> -> memref<1x125x80xi32, #tpu.memory_space<hbm>>
      %dma_wait3A_48 = tpu.memref_squeeze %dma_wait3A_47 : memref<1x125x80xi32, #tpu.memory_space<hbm>> -> memref<125x80xi32, #tpu.memory_space<hbm>>
      tpu.wait_dma2 semaphore(%run_scoped3A : memref<!tpu.dma_semaphore, #tpu.memory_space<semaphore_mem>>) src(%dma_wait3A_48 : memref<125x80xi32, #tpu.memory_space<hbm>>) dst(%arg5 : memref<125x80xi32, #tpu.memory_space<vmem>>)
      tpu.yield
    }) : () -> ()
    %scan3A = arith.constant 0 : i32
    %scan3A_1 = arith.constant 0 : i32
    %scan3A_2 = arith.constant 40 : i32
    %scan3A_3 = arith.addi %scan3A_1, %scan3A_2 : i32
    %scan3A_4 = arith.constant 1 : i32
    %scan3A_5 = scf.for %scan3A_35 = %scan3A_1 to %scan3A_3 step %scan3A_4 iter_args(%scan3A_36 = %scan3A) -> (i32)  : i32 {
      %broadcast_in_dim3A = arith.constant 0.000000e+00 : f32
      %broadcast_in_dim3A_37 = vector.broadcast %broadcast_in_dim3A : f32 to vector<16xf32>
      %mul3A_38 = arith.constant 16 : i32
      %mul3A_39 = arith.muli %scan3A_35, %mul3A_38 : i32
      %swap3A = arith.index_cast %mul3A_39 : i32 to index
      %swap3A_40 = tpu.vector_load %arg6[%swap3A] {strides = array<i32>} : memref<640xf32, #tpu.memory_space<vmem>>, vector<16xf32>,
      tpu.vector_store %arg6[%swap3A], %broadcast_in_dim3A_37 {strides = array<i32>} : memref<640xf32, #tpu.memory_space<vmem>>, vector<16xf32>,
      %scan3A_41 = arith.constant 0 : i32
      scf.yield %scan3A_41 : i32
    }
    %scan3A_6 = arith.constant 40 : i32
    %scan3A_7 = arith.constant 0 : i32
    %scan3A_8 = arith.constant 0 : i32
    %scan3A_9 = arith.constant 5 : i32
    %scan3A_10 = arith.addi %scan3A_8, %scan3A_9 : i32
    %scan3A_11 = arith.constant 1 : i32
    %scan3A_12 = scf.for %scan3A_35 = %scan3A_8 to %scan3A_10 step %scan3A_11 iter_args(%scan3A_36 = %scan3A_7) -> (i32)  : i32 {
      %broadcast_in_dim3A = arith.constant 1.000000e+00 : f32
      %broadcast_in_dim3A_37 = vector.broadcast %broadcast_in_dim3A : f32 to vector<16xf32>
      %mul3A_38 = arith.constant 16 : i32
      %mul3A_39 = arith.muli %scan3A_35, %mul3A_38 : i32
      %swap3A = arith.index_cast %mul3A_39 : i32 to index
      %swap3A_40 = tpu.vector_load %arg4[%swap3A] {strides = array<i32>} : memref<80xf32, #tpu.memory_space<vmem>>, vector<16xf32>,
      tpu.vector_store %arg4[%swap3A], %broadcast_in_dim3A_37 {strides = array<i32>} : memref<80xf32, #tpu.memory_space<vmem>>, vector<16xf32>,
      %scan3A_41 = arith.constant 0 : i32
      scf.yield %scan3A_41 : i32
    }
    %scan3A_13 = arith.constant 5 : i32
    %mul3A_14 = arith.constant 640 : i32
    %mul3A_15 = arith.muli %arg1, %mul3A_14 : i32
    "tpu.region"() ({
      %run_scoped3A = tpu.sem_alloc : memref<!tpu.dma_semaphore, #tpu.memory_space<semaphore_mem>>
      %dma_start3A = tpu.memref_slice %arg7[%mul3A_15] : memref<10240xf32, #tpu.memory_space<vmem_shared>> -> memref<640xf32, #tpu.memory_space<vmem_shared>>
      %dma_start3A_35 = tpu.memref_slice %arg7[%mul3A_15] : memref<10240xf32, #tpu.memory_space<vmem_shared>> -> memref<640xf32, #tpu.memory_space<vmem_shared>>
      tpu.enqueue_dma source(%arg6 : memref<640xf32, #tpu.memory_space<vmem>>) target(%dma_start3A_35 : memref<640xf32, #tpu.memory_space<vmem_shared>>) target_semaphore(%run_scoped3A : memref<!tpu.dma_semaphore, #tpu.memory_space<semaphore_mem>>)
      %dma_wait3A = tpu.memref_slice %arg7[%mul3A_15] : memref<10240xf32, #tpu.memory_space<vmem_shared>> -> memref<640xf32, #tpu.memory_space<vmem_shared>>
      %dma_wait3A_36 = tpu.memref_slice %arg7[%mul3A_15] : memref<10240xf32, #tpu.memory_space<vmem_shared>> -> memref<640xf32, #tpu.memory_space<vmem_shared>>
      tpu.wait_dma2 semaphore(%run_scoped3A : memref<!tpu.dma_semaphore, #tpu.memory_space<semaphore_mem>>) src(%arg6 : memref<640xf32, #tpu.memory_space<vmem>>) dst(%dma_wait3A_36 : memref<640xf32, #tpu.memory_space<vmem_shared>>)
      tpu.yield
    }) : () -> ()
    %barrier3A = arith.constant 0 : index
    tpu.barrier barrier_id(%barrier3A)
    %scan3A_16 = arith.constant 0 : i32
    %scan3A_17 = arith.constant 0 : i32
    %scan3A_18 = arith.constant 125 : i32
    %scan3A_19 = arith.addi %scan3A_17, %scan3A_18 : i32
    %scan3A_20 = arith.constant 1 : i32
    %scan3A_21 = scf.for %scan3A_35 = %scan3A_17 to %scan3A_19 step %scan3A_20 iter_args(%scan3A_36 = %scan3A_16) -> (i32)  : i32 {
      %dma_start3A = arith.constant 0 : i32
      %dma_start3A_37 = tpu.memref_slice %arg5[%scan3A_35, %dma_start3A] : memref<125x80xi32, #tpu.memory_space<vmem>> -> memref<1x80xi32, #tpu.memory_space<vmem>>
      %dma_start3A_38 = tpu.memref_squeeze %dma_start3A_37 : memref<1x80xi32, #tpu.memory_space<vmem>> -> memref<80xi32, #tpu.memory_space<vmem>>
      %dma_start3A_39 = arith.constant 0 : i32
      %dma_start3A_40 = tpu.memref_slice %arg7[%dma_start3A_39] : memref<10240xf32, #tpu.memory_space<vmem_shared>> -> memref<10240xf32, #tpu.memory_space<vmem_shared>>
      tpu.enqueue_indirect_dma source(%arg4 : memref<80xf32, #tpu.memory_space<vmem>>) target(%dma_start3A_40 : memref<10240xf32, #tpu.memory_space<vmem_shared>>) offsets(%dma_start3A_38 : memref<80xi32, #tpu.memory_space<vmem>>) semaphore(%arg8 : memref<!tpu.dma_semaphore, #tpu.memory_space<semaphore_mem>>) {add = true}
      %ge3A = arith.constant 8 : i32
      %ge3A_41 = arith.cmpi sge, %scan3A_35, %ge3A : i32
      %convert_element_type3A = arith.extui %ge3A_41 : i1 to i32
      %cond3A = arith.constant 0 : i32
      %cond3A_42 = arith.cmpi ne, %convert_element_type3A, %cond3A : i32
      scf.if %cond3A_42 {
        %dma_wait3A = arith.constant 0 : i32
        %dma_wait3A_44 = tpu.memref_slice %arg3[%arg0, %dma_wait3A] : memref<2x10240xf32, #tpu.memory_space<hbm>> -> memref<1x80xf32, #tpu.memory_space<hbm>>
        %dma_wait3A_45 = tpu.memref_squeeze %dma_wait3A_44 : memref<1x80xf32, #tpu.memory_space<hbm>> -> memref<80xf32, #tpu.memory_space<hbm>>
        %dma_wait3A_46 = arith.constant 0 : i32
        %dma_wait3A_47 = tpu.memref_slice %arg3[%arg0, %dma_wait3A_46] : memref<2x10240xf32, #tpu.memory_space<hbm>> -> memref<1x80xf32, #tpu.memory_space<hbm>>
        %dma_wait3A_48 = tpu.memref_squeeze %dma_wait3A_47 : memref<1x80xf32, #tpu.memory_space<hbm>> -> memref<80xf32, #tpu.memory_space<hbm>>
        tpu.wait_dma2 semaphore(%arg8 : memref<!tpu.dma_semaphore, #tpu.memory_space<semaphore_mem>>) src(%dma_wait3A_48 : memref<80xf32, #tpu.memory_space<hbm>>) dst(%arg4 : memref<80xf32, #tpu.memory_space<vmem>>)
      } else {
      }
      %scan3A_43 = arith.constant 0 : i32
      scf.yield %scan3A_43 : i32
    }
    %scan3A_22 = arith.constant 125 : i32
    %scan3A_23 = arith.constant 0 : i32
    %scan3A_24 = arith.constant 0 : i32
    %scan3A_25 = arith.constant 8 : i32
    %scan3A_26 = arith.addi %scan3A_24, %scan3A_25 : i32
    %scan3A_27 = arith.constant 1 : i32
    %scan3A_28 = scf.for %scan3A_35 = %scan3A_24 to %scan3A_26 step %scan3A_27 iter_args(%scan3A_36 = %scan3A_23) -> (i32)  : i32 {
      %dma_wait3A = arith.constant 0 : i32
      %dma_wait3A_37 = tpu.memref_slice %arg3[%arg0, %dma_wait3A] : memref<2x10240xf32, #tpu.memory_space<hbm>> -> memref<1x80xf32, #tpu.memory_space<hbm>>
      %dma_wait3A_38 = tpu.memref_squeeze %dma_wait3A_37 : memref<1x80xf32, #tpu.memory_space<hbm>> -> memref<80xf32, #tpu.memory_space<hbm>>
      %dma_wait3A_39 = arith.constant 0 : i32
      %dma_wait3A_40 = tpu.memref_slice %arg3[%arg0, %dma_wait3A_39] : memref<2x10240xf32, #tpu.memory_space<hbm>> -> memref<1x80xf32, #tpu.memory_space<hbm>>
      %dma_wait3A_41 = tpu.memref_squeeze %dma_wait3A_40 : memref<1x80xf32, #tpu.memory_space<hbm>> -> memref<80xf32, #tpu.memory_space<hbm>>
      tpu.wait_dma2 semaphore(%arg8 : memref<!tpu.dma_semaphore, #tpu.memory_space<semaphore_mem>>) src(%dma_wait3A_41 : memref<80xf32, #tpu.memory_space<hbm>>) dst(%arg4 : memref<80xf32, #tpu.memory_space<vmem>>)
      %scan3A_42 = arith.constant 0 : i32
      scf.yield %scan3A_42 : i32
    }
    %scan3A_29 = arith.constant 8 : i32
    %barrier3A_30 = arith.constant 0 : index
    tpu.barrier barrier_id(%barrier3A_30)
    %mul3A_31 = arith.constant 640 : i32
    %mul3A_32 = arith.muli %arg1, %mul3A_31 : i32
    %mul3A_33 = arith.constant 640 : i32
    %mul3A_34 = arith.muli %arg1, %mul3A_33 : i32
    "tpu.region"() ({
      %run_scoped3A = tpu.sem_alloc : memref<!tpu.dma_semaphore, #tpu.memory_space<semaphore_mem>>
      %dma_start3A = tpu.memref_slice %arg3[%arg0, %mul3A_34] : memref<2x10240xf32, #tpu.memory_space<hbm>> -> memref<1x640xf32, #tpu.memory_space<hbm>>
      %dma_start3A_35 = tpu.memref_squeeze %dma_start3A : memref<1x640xf32, #tpu.memory_space<hbm>> -> memref<640xf32, #tpu.memory_space<hbm>>
      %dma_start3A_36 = tpu.memref_slice %arg7[%mul3A_32] : memref<10240xf32, #tpu.memory_space<vmem_shared>> -> memref<640xf32, #tpu.memory_space<vmem_shared>>
      tpu.enqueue_dma source(%dma_start3A_36 : memref<640xf32, #tpu.memory_space<vmem_shared>>) target(%dma_start3A_35 : memref<640xf32, #tpu.memory_space<hbm>>) target_semaphore(%run_scoped3A : memref<!tpu.dma_semaphore, #tpu.memory_space<semaphore_mem>>)
      %dma_wait3A = tpu.memref_slice %arg3[%arg0, %mul3A_34] : memref<2x10240xf32, #tpu.memory_space<hbm>> -> memref<1x640xf32, #tpu.memory_space<hbm>>
      %dma_wait3A_37 = tpu.memref_squeeze %dma_wait3A : memref<1x640xf32, #tpu.memory_space<hbm>> -> memref<640xf32, #tpu.memory_space<hbm>>
      %dma_wait3A_38 = tpu.memref_slice %arg7[%mul3A_32] : memref<10240xf32, #tpu.memory_space<vmem_shared>> -> memref<640xf32, #tpu.memory_space<vmem_shared>>
      tpu.wait_dma2 semaphore(%run_scoped3A : memref<!tpu.dma_semaphore, #tpu.memory_space<semaphore_mem>>) src(%dma_wait3A_38 : memref<640xf32, #tpu.memory_space<vmem_shared>>) dst(%dma_wait3A_37 : memref<640xf32, #tpu.memory_space<hbm>>)
      tpu.yield
    }) : () -> ()
    return
  }
}

#map = affine_map<(d0, d1) -> (0, 0)>
#map1 = affine_map<(d0, d1) -> (0)>
#map2 = affine_map<(d0, d1) -> (0, 0, 0)>
module attributes {stable_mosaic.version = 14 : i64} {
  func.func @agg_kernel(%arg0: i32, %arg1: i32, %arg2: memref<10240x128xf32, #tpu.memory_space<hbm>>, %arg3: memref<320000xi32, #tpu.memory_space<hbm>>, %arg4: memref<32x125x80xi32, #tpu.memory_space<hbm>>, %arg5: memref<2x10240x128xf32, #tpu.memory_space<hbm>>, %arg6: memref<10000xi32, #tpu.memory_space<vmem>>, %arg7: memref<125x80xi32, #tpu.memory_space<vmem>>, %arg8: memref<80x128xf32, #tpu.memory_space<vmem>>, %arg9: memref<80x128xf32, #tpu.memory_space<vmem>>, %arg10: memref<10240x128xf32, #tpu.memory_space<vmem_shared>>, %arg11: memref<!tpu.dma_semaphore, #tpu.memory_space<semaphore_mem>>, %arg12: memref<!tpu.dma_semaphore, #tpu.memory_space<semaphore_mem>>, %arg13: memref<!tpu.dma_semaphore, #tpu.memory_space<semaphore_mem>>) attributes {dimension_semantics = [#tpu.dimension_semantics<core_parallel>, #tpu.dimension_semantics<subcore_parallel>], iteration_bounds = array<i64: 2, 16>, scalar_prefetch = 0 : i64, scratch_operands = 8 : i64, tpu.core_type = #tpu.core_type<sc_vector_subcore>, window_params = [{transform_indices = #map}, {transform_indices = #map1}, {transform_indices = #map2}, {transform_indices = #map2}]} {
    %mul3A = arith.constant 16 : i32
    %mul3A_0 = arith.muli %arg0, %mul3A : i32
    %add3A = arith.addi %mul3A_0, %arg1 : i32
    %mul3A_1 = arith.constant 10000 : i32
    %mul3A_2 = arith.muli %add3A, %mul3A_1 : i32
    "tpu.region"() ({
      %run_scoped3A_41 = tpu.sem_alloc : memref<!tpu.dma_semaphore, #tpu.memory_space<semaphore_mem>>
      %dma_start3A_42 = tpu.memref_slice %arg3[%mul3A_2] : memref<320000xi32, #tpu.memory_space<hbm>> -> memref<10000xi32, #tpu.memory_space<hbm>>
      %dma_start3A_43 = tpu.memref_slice %arg3[%mul3A_2] : memref<320000xi32, #tpu.memory_space<hbm>> -> memref<10000xi32, #tpu.memory_space<hbm>>
      tpu.enqueue_dma source(%dma_start3A_43 : memref<10000xi32, #tpu.memory_space<hbm>>) target(%arg6 : memref<10000xi32, #tpu.memory_space<vmem>>) target_semaphore(%run_scoped3A_41 : memref<!tpu.dma_semaphore, #tpu.memory_space<semaphore_mem>>)
      %dma_wait3A_44 = tpu.memref_slice %arg3[%mul3A_2] : memref<320000xi32, #tpu.memory_space<hbm>> -> memref<10000xi32, #tpu.memory_space<hbm>>
      %dma_wait3A_45 = tpu.memref_slice %arg3[%mul3A_2] : memref<320000xi32, #tpu.memory_space<hbm>> -> memref<10000xi32, #tpu.memory_space<hbm>>
      tpu.wait_dma2 semaphore(%run_scoped3A_41 : memref<!tpu.dma_semaphore, #tpu.memory_space<semaphore_mem>>) src(%dma_wait3A_45 : memref<10000xi32, #tpu.memory_space<hbm>>) dst(%arg6 : memref<10000xi32, #tpu.memory_space<vmem>>)
      tpu.yield
    }) : () -> ()
    %dma_start3A = arith.constant 0 : i32
    %dma_start3A_3 = tpu.memref_slice %arg6[%dma_start3A] : memref<10000xi32, #tpu.memory_space<vmem>> -> memref<80xi32, #tpu.memory_space<vmem>>
    %dma_start3A_4 = arith.constant 0 : i32
    %dma_start3A_5 = arith.constant 0 : i32
    %dma_start3A_6 = tpu.memref_slice %arg2[%dma_start3A_4, %dma_start3A_5] : memref<10240x128xf32, #tpu.memory_space<hbm>> -> memref<10240x128xf32, #tpu.memory_space<hbm>>
    tpu.enqueue_indirect_dma source(%dma_start3A_6 : memref<10240x128xf32, #tpu.memory_space<hbm>>) target(%arg8 : memref<80x128xf32, #tpu.memory_space<vmem>>) offsets(%dma_start3A_3 : memref<80xi32, #tpu.memory_space<vmem>>) semaphore(%arg11 : memref<!tpu.dma_semaphore, #tpu.memory_space<semaphore_mem>>)
    "tpu.region"() ({
      %run_scoped3A_41 = tpu.sem_alloc : memref<!tpu.dma_semaphore, #tpu.memory_space<semaphore_mem>>
      %dma_start3A_42 = arith.constant 0 : i32
      %dma_start3A_43 = arith.constant 0 : i32
      %dma_start3A_44 = tpu.memref_slice %arg4[%add3A, %dma_start3A_42, %dma_start3A_43] : memref<32x125x80xi32, #tpu.memory_space<hbm>> -> memref<1x125x80xi32, #tpu.memory_space<hbm>>
      %dma_start3A_45 = tpu.memref_squeeze %dma_start3A_44 : memref<1x125x80xi32, #tpu.memory_space<hbm>> -> memref<125x80xi32, #tpu.memory_space<hbm>>
      %dma_start3A_46 = arith.constant 0 : i32
      %dma_start3A_47 = arith.constant 0 : i32
      %dma_start3A_48 = tpu.memref_slice %arg4[%add3A, %dma_start3A_46, %dma_start3A_47] : memref<32x125x80xi32, #tpu.memory_space<hbm>> -> memref<1x125x80xi32, #tpu.memory_space<hbm>>
      %dma_start3A_49 = tpu.memref_squeeze %dma_start3A_48 : memref<1x125x80xi32, #tpu.memory_space<hbm>> -> memref<125x80xi32, #tpu.memory_space<hbm>>
      tpu.enqueue_dma source(%dma_start3A_49 : memref<125x80xi32, #tpu.memory_space<hbm>>) target(%arg7 : memref<125x80xi32, #tpu.memory_space<vmem>>) target_semaphore(%run_scoped3A_41 : memref<!tpu.dma_semaphore, #tpu.memory_space<semaphore_mem>>)
      %dma_wait3A_50 = arith.constant 0 : i32
      %dma_wait3A_51 = arith.constant 0 : i32
      %dma_wait3A_52 = tpu.memref_slice %arg4[%add3A, %dma_wait3A_50, %dma_wait3A_51] : memref<32x125x80xi32, #tpu.memory_space<hbm>> -> memref<1x125x80xi32, #tpu.memory_space<hbm>>
      %dma_wait3A_53 = tpu.memref_squeeze %dma_wait3A_52 : memref<1x125x80xi32, #tpu.memory_space<hbm>> -> memref<125x80xi32, #tpu.memory_space<hbm>>
      %dma_wait3A_54 = arith.constant 0 : i32
      %dma_wait3A_55 = arith.constant 0 : i32
      %dma_wait3A_56 = tpu.memref_slice %arg4[%add3A, %dma_wait3A_54, %dma_wait3A_55] : memref<32x125x80xi32, #tpu.memory_space<hbm>> -> memref<1x125x80xi32, #tpu.memory_space<hbm>>
      %dma_wait3A_57 = tpu.memref_squeeze %dma_wait3A_56 : memref<1x125x80xi32, #tpu.memory_space<hbm>> -> memref<125x80xi32, #tpu.memory_space<hbm>>
      tpu.wait_dma2 semaphore(%run_scoped3A_41 : memref<!tpu.dma_semaphore, #tpu.memory_space<semaphore_mem>>) src(%dma_wait3A_57 : memref<125x80xi32, #tpu.memory_space<hbm>>) dst(%arg7 : memref<125x80xi32, #tpu.memory_space<vmem>>)
      tpu.yield
    }) : () -> ()
    %scan3A = arith.constant 0 : i32
    %scan3A_7 = arith.constant 0 : i32
    %scan3A_8 = arith.constant 80 : i32
    %scan3A_9 = arith.addi %scan3A_7, %scan3A_8 : i32
    %scan3A_10 = arith.constant 1 : i32
    %scan3A_11 = scf.for %scan3A_41 = %scan3A_7 to %scan3A_9 step %scan3A_10 iter_args(%scan3A_42 = %scan3A) -> (i32)  : i32 {
      %scan3A_43 = arith.constant 0 : i32
      %scan3A_44 = arith.constant 0 : i32
      %scan3A_45 = arith.constant 8 : i32
      %scan3A_46 = arith.addi %scan3A_44, %scan3A_45 : i32
      %scan3A_47 = arith.constant 1 : i32
      %scan3A_48 = scf.for %scan3A_51 = %scan3A_44 to %scan3A_46 step %scan3A_47 iter_args(%scan3A_52 = %scan3A_43) -> (i32)  : i32 {
        %broadcast_in_dim3A = arith.constant 0.000000e+00 : f32
        %broadcast_in_dim3A_53 = vector.broadcast %broadcast_in_dim3A : f32 to vector<16xf32>
        %mul3A_54 = arith.constant 16 : i32
        %mul3A_55 = arith.muli %scan3A_51, %mul3A_54 : i32
        %swap3A = arith.index_cast %scan3A_41 : i32 to index
        %swap3A_56 = arith.index_cast %mul3A_55 : i32 to index
        %swap3A_57 = tpu.vector_load %arg9[%swap3A, %swap3A_56] {strides = array<i32>} : memref<80x128xf32, #tpu.memory_space<vmem>>, vector<16xf32>,
        tpu.vector_store %arg9[%swap3A, %swap3A_56], %broadcast_in_dim3A_53 {strides = array<i32>} : memref<80x128xf32, #tpu.memory_space<vmem>>, vector<16xf32>,
        %scan3A_58 = arith.constant 0 : i32
        scf.yield %scan3A_58 : i32
      }
      %scan3A_49 = arith.constant 8 : i32
      %scan3A_50 = arith.constant 0 : i32
      scf.yield %scan3A_50 : i32
    }
    %scan3A_12 = arith.constant 80 : i32
    %scan3A_13 = arith.constant 0 : i32
    %scan3A_14 = arith.constant 0 : i32
    %scan3A_15 = arith.constant 8 : i32
    %scan3A_16 = arith.addi %scan3A_14, %scan3A_15 : i32
    %scan3A_17 = arith.constant 1 : i32
    %scan3A_18 = scf.for %scan3A_41 = %scan3A_14 to %scan3A_16 step %scan3A_17 iter_args(%scan3A_42 = %scan3A_13) -> (i32)  : i32 {
      %mul3A_43 = arith.constant 640 : i32
      %mul3A_44 = arith.muli %arg1, %mul3A_43 : i32
      %mul3A_45 = arith.constant 80 : i32
      %mul3A_46 = arith.muli %scan3A_41, %mul3A_45 : i32
      %add3A_47 = arith.addi %mul3A_44, %mul3A_46 : i32
      "tpu.region"() ({
        %run_scoped3A_49 = tpu.sem_alloc : memref<!tpu.dma_semaphore, #tpu.memory_space<semaphore_mem>>
        %dma_start3A_50 = arith.constant 0 : i32
        %dma_start3A_51 = tpu.memref_slice %arg10[%add3A_47, %dma_start3A_50] : memref<10240x128xf32, #tpu.memory_space<vmem_shared>> -> memref<80x128xf32, #tpu.memory_space<vmem_shared>>
        %dma_start3A_52 = arith.constant 0 : i32
        %dma_start3A_53 = tpu.memref_slice %arg10[%add3A_47, %dma_start3A_52] : memref<10240x128xf32, #tpu.memory_space<vmem_shared>> -> memref<80x128xf32, #tpu.memory_space<vmem_shared>>
        tpu.enqueue_dma source(%arg9 : memref<80x128xf32, #tpu.memory_space<vmem>>) target(%dma_start3A_53 : memref<80x128xf32, #tpu.memory_space<vmem_shared>>) target_semaphore(%run_scoped3A_49 : memref<!tpu.dma_semaphore, #tpu.memory_space<semaphore_mem>>)
        %dma_wait3A_54 = arith.constant 0 : i32
        %dma_wait3A_55 = tpu.memref_slice %arg10[%add3A_47, %dma_wait3A_54] : memref<10240x128xf32, #tpu.memory_space<vmem_shared>> -> memref<80x128xf32, #tpu.memory_space<vmem_shared>>
        %dma_wait3A_56 = arith.constant 0 : i32
        %dma_wait3A_57 = tpu.memref_slice %arg10[%add3A_47, %dma_wait3A_56] : memref<10240x128xf32, #tpu.memory_space<vmem_shared>> -> memref<80x128xf32, #tpu.memory_space<vmem_shared>>
        tpu.wait_dma2 semaphore(%run_scoped3A_49 : memref<!tpu.dma_semaphore, #tpu.memory_space<semaphore_mem>>) src(%arg9 : memref<80x128xf32, #tpu.memory_space<vmem>>) dst(%dma_wait3A_57 : memref<80x128xf32, #tpu.memory_space<vmem_shared>>)
        tpu.yield
      }) : () -> ()
      %scan3A_48 = arith.constant 0 : i32
      scf.yield %scan3A_48 : i32
    }
    %scan3A_19 = arith.constant 8 : i32
    %barrier3A = arith.constant 0 : index
    tpu.barrier barrier_id(%barrier3A)
    %dma_start3A_20 = arith.constant 80 : i32
    %dma_start3A_21 = tpu.memref_slice %arg6[%dma_start3A_20] : memref<10000xi32, #tpu.memory_space<vmem>> -> memref<80xi32, #tpu.memory_space<vmem>>
    %dma_start3A_22 = arith.constant 0 : i32
    %dma_start3A_23 = arith.constant 0 : i32
    %dma_start3A_24 = tpu.memref_slice %arg2[%dma_start3A_22, %dma_start3A_23] : memref<10240x128xf32, #tpu.memory_space<hbm>> -> memref<10240x128xf32, #tpu.memory_space<hbm>>
    tpu.enqueue_indirect_dma source(%dma_start3A_24 : memref<10240x128xf32, #tpu.memory_space<hbm>>) target(%arg9 : memref<80x128xf32, #tpu.memory_space<vmem>>) offsets(%dma_start3A_21 : memref<80xi32, #tpu.memory_space<vmem>>) semaphore(%arg12 : memref<!tpu.dma_semaphore, #tpu.memory_space<semaphore_mem>>)
    %scan3A_25 = arith.constant 0 : i32
    %scan3A_26 = arith.constant 0 : i32
    %scan3A_27 = arith.constant 62 : i32
    %scan3A_28 = arith.addi %scan3A_26, %scan3A_27 : i32
    %scan3A_29 = arith.constant 1 : i32
    %scan3A_30 = scf.for %scan3A_41 = %scan3A_26 to %scan3A_28 step %scan3A_29 iter_args(%scan3A_42 = %scan3A_25) -> (i32)  : i32 {
      %mul3A_43 = arith.constant 2 : i32
      %mul3A_44 = arith.muli %mul3A_43, %scan3A_41 : i32
      %mul3A_45 = arith.constant 80 : i32
      %mul3A_46 = arith.muli %mul3A_44, %mul3A_45 : i32
      %dma_wait3A_47 = tpu.memref_slice %arg6[%mul3A_46] : memref<10000xi32, #tpu.memory_space<vmem>> -> memref<80xi32, #tpu.memory_space<vmem>>
      %dma_wait3A_48 = arith.constant 0 : i32
      %dma_wait3A_49 = arith.constant 0 : i32
      %dma_wait3A_50 = tpu.memref_slice %arg2[%dma_wait3A_48, %dma_wait3A_49] : memref<10240x128xf32, #tpu.memory_space<hbm>> -> memref<10240x128xf32, #tpu.memory_space<hbm>>
      tpu.wait_indirect_dma semaphore(%arg11 : memref<!tpu.dma_semaphore, #tpu.memory_space<semaphore_mem>>) src(%dma_wait3A_50 : memref<10240x128xf32, #tpu.memory_space<hbm>>) dst(%arg8 : memref<80x128xf32, #tpu.memory_space<vmem>>)
      "tpu.region"() ({
        %run_scoped3A_73 = tpu.sem_alloc : memref<!tpu.dma_semaphore, #tpu.memory_space<semaphore_mem>>
        %dma_start3A_74 = arith.constant 0 : i32
        %dma_start3A_75 = tpu.memref_slice %arg7[%mul3A_44, %dma_start3A_74] : memref<125x80xi32, #tpu.memory_space<vmem>> -> memref<1x80xi32, #tpu.memory_space<vmem>>
        %dma_start3A_76 = tpu.memref_squeeze %dma_start3A_75 : memref<1x80xi32, #tpu.memory_space<vmem>> -> memref<80xi32, #tpu.memory_space<vmem>>
        %dma_start3A_77 = arith.constant 0 : i32
        %dma_start3A_78 = arith.constant 0 : i32
        %dma_start3A_79 = tpu.memref_slice %arg10[%dma_start3A_77, %dma_start3A_78] : memref<10240x128xf32, #tpu.memory_space<vmem_shared>> -> memref<10240x128xf32, #tpu.memory_space<vmem_shared>>
        tpu.enqueue_indirect_dma source(%arg8 : memref<80x128xf32, #tpu.memory_space<vmem>>) target(%dma_start3A_79 : memref<10240x128xf32, #tpu.memory_space<vmem_shared>>) offsets(%dma_start3A_76 : memref<80xi32, #tpu.memory_space<vmem>>) semaphore(%run_scoped3A_73 : memref<!tpu.dma_semaphore, #tpu.memory_space<semaphore_mem>>) {add = true}
        %dma_wait3A_80 = arith.constant 0 : i32
        %dma_wait3A_81 = tpu.memref_slice %arg7[%mul3A_44, %dma_wait3A_80] : memref<125x80xi32, #tpu.memory_space<vmem>> -> memref<1x80xi32, #tpu.memory_space<vmem>>
        %dma_wait3A_82 = tpu.memref_squeeze %dma_wait3A_81 : memref<1x80xi32, #tpu.memory_space<vmem>> -> memref<80xi32, #tpu.memory_space<vmem>>
        %dma_wait3A_83 = arith.constant 0 : i32
        %dma_wait3A_84 = arith.constant 0 : i32
        %dma_wait3A_85 = tpu.memref_slice %arg10[%dma_wait3A_83, %dma_wait3A_84] : memref<10240x128xf32, #tpu.memory_space<vmem_shared>> -> memref<10240x128xf32, #tpu.memory_space<vmem_shared>>
        tpu.wait_indirect_dma semaphore(%run_scoped3A_73 : memref<!tpu.dma_semaphore, #tpu.memory_space<semaphore_mem>>) src(%arg8 : memref<80x128xf32, #tpu.memory_space<vmem>>) dst(%dma_wait3A_85 : memref<10240x128xf32, #tpu.memory_space<vmem_shared>>)
        tpu.yield
      }) : () -> ()
      %add3A_51 = arith.constant 2 : i32
      %add3A_52 = arith.addi %mul3A_44, %add3A_51 : i32
      %lt3A = arith.constant 125 : i32
      %lt3A_53 = arith.cmpi slt, %add3A_52, %lt3A : i32
      %convert_element_type3A = arith.extui %lt3A_53 : i1 to i32
      %cond3A = arith.constant 0 : i32
      %cond3A_54 = arith.cmpi ne, %convert_element_type3A, %cond3A : i32
      scf.if %cond3A_54 {
        %add3A_73 = arith.constant 2 : i32
        %add3A_74 = arith.addi %mul3A_44, %add3A_73 : i32
        %mul3A_75 = arith.constant 80 : i32
        %mul3A_76 = arith.muli %add3A_74, %mul3A_75 : i32
        %dma_start3A_77 = tpu.memref_slice %arg6[%mul3A_76] : memref<10000xi32, #tpu.memory_space<vmem>> -> memref<80xi32, #tpu.memory_space<vmem>>
        %dma_start3A_78 = arith.constant 0 : i32
        %dma_start3A_79 = arith.constant 0 : i32
        %dma_start3A_80 = tpu.memref_slice %arg2[%dma_start3A_78, %dma_start3A_79] : memref<10240x128xf32, #tpu.memory_space<hbm>> -> memref<10240x128xf32, #tpu.memory_space<hbm>>
        tpu.enqueue_indirect_dma source(%dma_start3A_80 : memref<10240x128xf32, #tpu.memory_space<hbm>>) target(%arg8 : memref<80x128xf32, #tpu.memory_space<vmem>>) offsets(%dma_start3A_77 : memref<80xi32, #tpu.memory_space<vmem>>) semaphore(%arg11 : memref<!tpu.dma_semaphore, #tpu.memory_space<semaphore_mem>>)
      } else {
      }
      %add3A_55 = arith.constant 1 : i32
      %add3A_56 = arith.addi %mul3A_44, %add3A_55 : i32
      %mul3A_57 = arith.constant 80 : i32
      %mul3A_58 = arith.muli %add3A_56, %mul3A_57 : i32
      %dma_wait3A_59 = tpu.memref_slice %arg6[%mul3A_58] : memref<10000xi32, #tpu.memory_space<vmem>> -> memref<80xi32, #tpu.memory_space<vmem>>
      %dma_wait3A_60 = arith.constant 0 : i32
      %dma_wait3A_61 = arith.constant 0 : i32
      %dma_wait3A_62 = tpu.memref_slice %arg2[%dma_wait3A_60, %dma_wait3A_61] : memref<10240x128xf32, #tpu.memory_space<hbm>> -> memref<10240x128xf32, #tpu.memory_space<hbm>>
      tpu.wait_indirect_dma semaphore(%arg12 : memref<!tpu.dma_semaphore, #tpu.memory_space<semaphore_mem>>) src(%dma_wait3A_62 : memref<10240x128xf32, #tpu.memory_space<hbm>>) dst(%arg9 : memref<80x128xf32, #tpu.memory_space<vmem>>)
      %add3A_63 = arith.constant 1 : i32
      %add3A_64 = arith.addi %mul3A_44, %add3A_63 : i32
      "tpu.region"() ({
        %run_scoped3A_73 = tpu.sem_alloc : memref<!tpu.dma_semaphore, #tpu.memory_space<semaphore_mem>>
        %dma_start3A_74 = arith.constant 0 : i32
        %dma_start3A_75 = tpu.memref_slice %arg7[%add3A_64, %dma_start3A_74] : memref<125x80xi32, #tpu.memory_space<vmem>> -> memref<1x80xi32, #tpu.memory_space<vmem>>
        %dma_start3A_76 = tpu.memref_squeeze %dma_start3A_75 : memref<1x80xi32, #tpu.memory_space<vmem>> -> memref<80xi32, #tpu.memory_space<vmem>>
        %dma_start3A_77 = arith.constant 0 : i32
        %dma_start3A_78 = arith.constant 0 : i32
        %dma_start3A_79 = tpu.memref_slice %arg10[%dma_start3A_77, %dma_start3A_78] : memref<10240x128xf32, #tpu.memory_space<vmem_shared>> -> memref<10240x128xf32, #tpu.memory_space<vmem_shared>>
        tpu.enqueue_indirect_dma source(%arg9 : memref<80x128xf32, #tpu.memory_space<vmem>>) target(%dma_start3A_79 : memref<10240x128xf32, #tpu.memory_space<vmem_shared>>) offsets(%dma_start3A_76 : memref<80xi32, #tpu.memory_space<vmem>>) semaphore(%run_scoped3A_73 : memref<!tpu.dma_semaphore, #tpu.memory_space<semaphore_mem>>) {add = true}
        %dma_wait3A_80 = arith.constant 0 : i32
        %dma_wait3A_81 = tpu.memref_slice %arg7[%add3A_64, %dma_wait3A_80] : memref<125x80xi32, #tpu.memory_space<vmem>> -> memref<1x80xi32, #tpu.memory_space<vmem>>
        %dma_wait3A_82 = tpu.memref_squeeze %dma_wait3A_81 : memref<1x80xi32, #tpu.memory_space<vmem>> -> memref<80xi32, #tpu.memory_space<vmem>>
        %dma_wait3A_83 = arith.constant 0 : i32
        %dma_wait3A_84 = arith.constant 0 : i32
        %dma_wait3A_85 = tpu.memref_slice %arg10[%dma_wait3A_83, %dma_wait3A_84] : memref<10240x128xf32, #tpu.memory_space<vmem_shared>> -> memref<10240x128xf32, #tpu.memory_space<vmem_shared>>
        tpu.wait_indirect_dma semaphore(%run_scoped3A_73 : memref<!tpu.dma_semaphore, #tpu.memory_space<semaphore_mem>>) src(%arg9 : memref<80x128xf32, #tpu.memory_space<vmem>>) dst(%dma_wait3A_85 : memref<10240x128xf32, #tpu.memory_space<vmem_shared>>)
        tpu.yield
      }) : () -> ()
      %add3A_65 = arith.constant 3 : i32
      %add3A_66 = arith.addi %mul3A_44, %add3A_65 : i32
      %lt3A_67 = arith.constant 125 : i32
      %lt3A_68 = arith.cmpi slt, %add3A_66, %lt3A_67 : i32
      %convert_element_type3A_69 = arith.extui %lt3A_68 : i1 to i32
      %cond3A_70 = arith.constant 0 : i32
      %cond3A_71 = arith.cmpi ne, %convert_element_type3A_69, %cond3A_70 : i32
      scf.if %cond3A_71 {
        %add3A_73 = arith.constant 3 : i32
        %add3A_74 = arith.addi %mul3A_44, %add3A_73 : i32
        %mul3A_75 = arith.constant 80 : i32
        %mul3A_76 = arith.muli %add3A_74, %mul3A_75 : i32
        %dma_start3A_77 = tpu.memref_slice %arg6[%mul3A_76] : memref<10000xi32, #tpu.memory_space<vmem>> -> memref<80xi32, #tpu.memory_space<vmem>>
        %dma_start3A_78 = arith.constant 0 : i32
        %dma_start3A_79 = arith.constant 0 : i32
        %dma_start3A_80 = tpu.memref_slice %arg2[%dma_start3A_78, %dma_start3A_79] : memref<10240x128xf32, #tpu.memory_space<hbm>> -> memref<10240x128xf32, #tpu.memory_space<hbm>>
        tpu.enqueue_indirect_dma source(%dma_start3A_80 : memref<10240x128xf32, #tpu.memory_space<hbm>>) target(%arg9 : memref<80x128xf32, #tpu.memory_space<vmem>>) offsets(%dma_start3A_77 : memref<80xi32, #tpu.memory_space<vmem>>) semaphore(%arg12 : memref<!tpu.dma_semaphore, #tpu.memory_space<semaphore_mem>>)
      } else {
      }
      %scan3A_72 = arith.constant 0 : i32
      scf.yield %scan3A_72 : i32
    }
    %scan3A_31 = arith.constant 62 : i32
    %dma_wait3A = arith.constant 9920 : i32
    %dma_wait3A_32 = tpu.memref_slice %arg6[%dma_wait3A] : memref<10000xi32, #tpu.memory_space<vmem>> -> memref<80xi32, #tpu.memory_space<vmem>>
    %dma_wait3A_33 = arith.constant 0 : i32
    %dma_wait3A_34 = arith.constant 0 : i32
    %dma_wait3A_35 = tpu.memref_slice %arg2[%dma_wait3A_33, %dma_wait3A_34] : memref<10240x128xf32, #tpu.memory_space<hbm>> -> memref<10240x128xf32, #tpu.memory_space<hbm>>
    tpu.wait_indirect_dma semaphore(%arg11 : memref<!tpu.dma_semaphore, #tpu.memory_space<semaphore_mem>>) src(%dma_wait3A_35 : memref<10240x128xf32, #tpu.memory_space<hbm>>) dst(%arg8 : memref<80x128xf32, #tpu.memory_space<vmem>>)
    %run_scoped3A = arith.constant 124 : i32
    "tpu.region"() ({
      %run_scoped3A_41 = tpu.sem_alloc : memref<!tpu.dma_semaphore, #tpu.memory_space<semaphore_mem>>
      %dma_start3A_42 = arith.constant 0 : i32
      %dma_start3A_43 = tpu.memref_slice %arg7[%run_scoped3A, %dma_start3A_42] : memref<125x80xi32, #tpu.memory_space<vmem>> -> memref<1x80xi32, #tpu.memory_space<vmem>>
      %dma_start3A_44 = tpu.memref_squeeze %dma_start3A_43 : memref<1x80xi32, #tpu.memory_space<vmem>> -> memref<80xi32, #tpu.memory_space<vmem>>
      %dma_start3A_45 = arith.constant 0 : i32
      %dma_start3A_46 = arith.constant 0 : i32
      %dma_start3A_47 = tpu.memref_slice %arg10[%dma_start3A_45, %dma_start3A_46] : memref<10240x128xf32, #tpu.memory_space<vmem_shared>> -> memref<10240x128xf32, #tpu.memory_space<vmem_shared>>
      tpu.enqueue_indirect_dma source(%arg8 : memref<80x128xf32, #tpu.memory_space<vmem>>) target(%dma_start3A_47 : memref<10240x128xf32, #tpu.memory_space<vmem_shared>>) offsets(%dma_start3A_44 : memref<80xi32, #tpu.memory_space<vmem>>) semaphore(%run_scoped3A_41 : memref<!tpu.dma_semaphore, #tpu.memory_space<semaphore_mem>>) {add = true}
      %dma_wait3A_48 = arith.constant 0 : i32
      %dma_wait3A_49 = tpu.memref_slice %arg7[%run_scoped3A, %dma_wait3A_48] : memref<125x80xi32, #tpu.memory_space<vmem>> -> memref<1x80xi32, #tpu.memory_space<vmem>>
      %dma_wait3A_50 = tpu.memref_squeeze %dma_wait3A_49 : memref<1x80xi32, #tpu.memory_space<vmem>> -> memref<80xi32, #tpu.memory_space<vmem>>
      %dma_wait3A_51 = arith.constant 0 : i32
      %dma_wait3A_52 = arith.constant 0 : i32
      %dma_wait3A_53 = tpu.memref_slice %arg10[%dma_wait3A_51, %dma_wait3A_52] : memref<10240x128xf32, #tpu.memory_space<vmem_shared>> -> memref<10240x128xf32, #tpu.memory_space<vmem_shared>>
      tpu.wait_indirect_dma semaphore(%run_scoped3A_41 : memref<!tpu.dma_semaphore, #tpu.memory_space<semaphore_mem>>) src(%arg8 : memref<80x128xf32, #tpu.memory_space<vmem>>) dst(%dma_wait3A_53 : memref<10240x128xf32, #tpu.memory_space<vmem_shared>>)
      tpu.yield
    }) : () -> ()
    %barrier3A_36 = arith.constant 0 : index
    tpu.barrier barrier_id(%barrier3A_36)
    %mul3A_37 = arith.constant 640 : i32
    %mul3A_38 = arith.muli %arg1, %mul3A_37 : i32
    %mul3A_39 = arith.constant 640 : i32
    %mul3A_40 = arith.muli %arg1, %mul3A_39 : i32
    "tpu.region"() ({
      %run_scoped3A_41 = tpu.sem_alloc : memref<!tpu.dma_semaphore, #tpu.memory_space<semaphore_mem>>
      %dma_start3A_42 = arith.constant 0 : i32
      %dma_start3A_43 = tpu.memref_slice %arg5[%arg0, %mul3A_40, %dma_start3A_42] : memref<2x10240x128xf32, #tpu.memory_space<hbm>> -> memref<1x640x128xf32, #tpu.memory_space<hbm>>
      %dma_start3A_44 = tpu.memref_squeeze %dma_start3A_43 : memref<1x640x128xf32, #tpu.memory_space<hbm>> -> memref<640x128xf32, #tpu.memory_space<hbm>>
      %dma_start3A_45 = arith.constant 0 : i32
      %dma_start3A_46 = tpu.memref_slice %arg10[%mul3A_38, %dma_start3A_45] : memref<10240x128xf32, #tpu.memory_space<vmem_shared>> -> memref<640x128xf32, #tpu.memory_space<vmem_shared>>
      tpu.enqueue_dma source(%dma_start3A_46 : memref<640x128xf32, #tpu.memory_space<vmem_shared>>) target(%dma_start3A_44 : memref<640x128xf32, #tpu.memory_space<hbm>>) target_semaphore(%run_scoped3A_41 : memref<!tpu.dma_semaphore, #tpu.memory_space<semaphore_mem>>)
      %dma_wait3A_47 = arith.constant 0 : i32
      %dma_wait3A_48 = tpu.memref_slice %arg5[%arg0, %mul3A_40, %dma_wait3A_47] : memref<2x10240x128xf32, #tpu.memory_space<hbm>> -> memref<1x640x128xf32, #tpu.memory_space<hbm>>
      %dma_wait3A_49 = tpu.memref_squeeze %dma_wait3A_48 : memref<1x640x128xf32, #tpu.memory_space<hbm>> -> memref<640x128xf32, #tpu.memory_space<hbm>>
      %dma_wait3A_50 = arith.constant 0 : i32
      %dma_wait3A_51 = tpu.memref_slice %arg10[%mul3A_38, %dma_wait3A_50] : memref<10240x128xf32, #tpu.memory_space<vmem_shared>> -> memref<640x128xf32, #tpu.memory_space<vmem_shared>>
      tpu.wait_dma2 semaphore(%run_scoped3A_41 : memref<!tpu.dma_semaphore, #tpu.memory_space<semaphore_mem>>) src(%dma_wait3A_51 : memref<640x128xf32, #tpu.memory_space<vmem_shared>>) dst(%dma_wait3A_49 : memref<640x128xf32, #tpu.memory_space<hbm>>)
      tpu.yield
    }) : () -> ()
    return
  }
}

#map = affine_map<(d0, d1) -> (0)>
#map1 = affine_map<(d0, d1) -> (0, 0, 0)>
#map2 = affine_map<(d0, d1) -> (0, 0)>
module attributes {stable_mosaic.version = 14 : i64} {
  func.func @sagg_kernel(%arg0: i32, %arg1: i32, %arg2: memref<10240xf32, #tpu.memory_space<hbm>>, %arg3: memref<320000xi32, #tpu.memory_space<hbm>>, %arg4: memref<32x125x80xi32, #tpu.memory_space<hbm>>, %arg5: memref<2x10240xf32, #tpu.memory_space<hbm>>, %arg6: memref<10240xf32, #tpu.memory_space<vmem>>, %arg7: memref<10000xi32, #tpu.memory_space<vmem>>, %arg8: memref<125x80xi32, #tpu.memory_space<vmem>>, %arg9: memref<125x80xf32, #tpu.memory_space<vmem>>, %arg10: memref<640xf32, #tpu.memory_space<vmem>>, %arg11: memref<10240xf32, #tpu.memory_space<vmem_shared>>, %arg12: memref<!tpu.dma_semaphore, #tpu.memory_space<semaphore_mem>>) attributes {dimension_semantics = [#tpu.dimension_semantics<core_parallel>, #tpu.dimension_semantics<subcore_parallel>], iteration_bounds = array<i64: 2, 16>, scalar_prefetch = 0 : i64, scratch_operands = 7 : i64, tpu.core_type = #tpu.core_type<sc_vector_subcore>, window_params = [{transform_indices = #map}, {transform_indices = #map}, {transform_indices = #map1}, {transform_indices = #map2}]} {
    %mul3A = arith.constant 16 : i32
    %mul3A_0 = arith.muli %arg0, %mul3A : i32
    %add3A = arith.addi %mul3A_0, %arg1 : i32
    "tpu.region"() ({
      %run_scoped3A = tpu.sem_alloc : memref<!tpu.dma_semaphore, #tpu.memory_space<semaphore_mem>>
      tpu.enqueue_dma source(%arg2 : memref<10240xf32, #tpu.memory_space<hbm>>) target(%arg6 : memref<10240xf32, #tpu.memory_space<vmem>>) target_semaphore(%run_scoped3A : memref<!tpu.dma_semaphore, #tpu.memory_space<semaphore_mem>>)
      tpu.wait_dma2 semaphore(%run_scoped3A : memref<!tpu.dma_semaphore, #tpu.memory_space<semaphore_mem>>) src(%arg2 : memref<10240xf32, #tpu.memory_space<hbm>>) dst(%arg6 : memref<10240xf32, #tpu.memory_space<vmem>>)
      tpu.yield
    }) : () -> ()
    %mul3A_1 = arith.constant 10000 : i32
    %mul3A_2 = arith.muli %add3A, %mul3A_1 : i32
    "tpu.region"() ({
      %run_scoped3A = tpu.sem_alloc : memref<!tpu.dma_semaphore, #tpu.memory_space<semaphore_mem>>
      %dma_start3A = tpu.memref_slice %arg3[%mul3A_2] : memref<320000xi32, #tpu.memory_space<hbm>> -> memref<10000xi32, #tpu.memory_space<hbm>>
      %dma_start3A_23 = tpu.memref_slice %arg3[%mul3A_2] : memref<320000xi32, #tpu.memory_space<hbm>> -> memref<10000xi32, #tpu.memory_space<hbm>>
      tpu.enqueue_dma source(%dma_start3A_23 : memref<10000xi32, #tpu.memory_space<hbm>>) target(%arg7 : memref<10000xi32, #tpu.memory_space<vmem>>) target_semaphore(%run_scoped3A : memref<!tpu.dma_semaphore, #tpu.memory_space<semaphore_mem>>)
      %dma_wait3A = tpu.memref_slice %arg3[%mul3A_2] : memref<320000xi32, #tpu.memory_space<hbm>> -> memref<10000xi32, #tpu.memory_space<hbm>>
      %dma_wait3A_24 = tpu.memref_slice %arg3[%mul3A_2] : memref<320000xi32, #tpu.memory_space<hbm>> -> memref<10000xi32, #tpu.memory_space<hbm>>
      tpu.wait_dma2 semaphore(%run_scoped3A : memref<!tpu.dma_semaphore, #tpu.memory_space<semaphore_mem>>) src(%dma_wait3A_24 : memref<10000xi32, #tpu.memory_space<hbm>>) dst(%arg7 : memref<10000xi32, #tpu.memory_space<vmem>>)
      tpu.yield
    }) : () -> ()
    "tpu.region"() ({
      %run_scoped3A = tpu.sem_alloc : memref<!tpu.dma_semaphore, #tpu.memory_space<semaphore_mem>>
      %dma_start3A = arith.constant 0 : i32
      %dma_start3A_23 = arith.constant 0 : i32
      %dma_start3A_24 = tpu.memref_slice %arg4[%add3A, %dma_start3A, %dma_start3A_23] : memref<32x125x80xi32, #tpu.memory_space<hbm>> -> memref<1x125x80xi32, #tpu.memory_space<hbm>>
      %dma_start3A_25 = tpu.memref_squeeze %dma_start3A_24 : memref<1x125x80xi32, #tpu.memory_space<hbm>> -> memref<125x80xi32, #tpu.memory_space<hbm>>
      %dma_start3A_26 = arith.constant 0 : i32
      %dma_start3A_27 = arith.constant 0 : i32
      %dma_start3A_28 = tpu.memref_slice %arg4[%add3A, %dma_start3A_26, %dma_start3A_27] : memref<32x125x80xi32, #tpu.memory_space<hbm>> -> memref<1x125x80xi32, #tpu.memory_space<hbm>>
      %dma_start3A_29 = tpu.memref_squeeze %dma_start3A_28 : memref<1x125x80xi32, #tpu.memory_space<hbm>> -> memref<125x80xi32, #tpu.memory_space<hbm>>
      tpu.enqueue_dma source(%dma_start3A_29 : memref<125x80xi32, #tpu.memory_space<hbm>>) target(%arg8 : memref<125x80xi32, #tpu.memory_space<vmem>>) target_semaphore(%run_scoped3A : memref<!tpu.dma_semaphore, #tpu.memory_space<semaphore_mem>>)
      %dma_wait3A = arith.constant 0 : i32
      %dma_wait3A_30 = arith.constant 0 : i32
      %dma_wait3A_31 = tpu.memref_slice %arg4[%add3A, %dma_wait3A, %dma_wait3A_30] : memref<32x125x80xi32, #tpu.memory_space<hbm>> -> memref<1x125x80xi32, #tpu.memory_space<hbm>>
      %dma_wait3A_32 = tpu.memref_squeeze %dma_wait3A_31 : memref<1x125x80xi32, #tpu.memory_space<hbm>> -> memref<125x80xi32, #tpu.memory_space<hbm>>
      %dma_wait3A_33 = arith.constant 0 : i32
      %dma_wait3A_34 = arith.constant 0 : i32
      %dma_wait3A_35 = tpu.memref_slice %arg4[%add3A, %dma_wait3A_33, %dma_wait3A_34] : memref<32x125x80xi32, #tpu.memory_space<hbm>> -> memref<1x125x80xi32, #tpu.memory_space<hbm>>
      %dma_wait3A_36 = tpu.memref_squeeze %dma_wait3A_35 : memref<1x125x80xi32, #tpu.memory_space<hbm>> -> memref<125x80xi32, #tpu.memory_space<hbm>>
      tpu.wait_dma2 semaphore(%run_scoped3A : memref<!tpu.dma_semaphore, #tpu.memory_space<semaphore_mem>>) src(%dma_wait3A_36 : memref<125x80xi32, #tpu.memory_space<hbm>>) dst(%arg8 : memref<125x80xi32, #tpu.memory_space<vmem>>)
      tpu.yield
    }) : () -> ()
    %scan3A = arith.constant 0 : i32
    %scan3A_3 = arith.constant 0 : i32
    %scan3A_4 = arith.constant 40 : i32
    %scan3A_5 = arith.addi %scan3A_3, %scan3A_4 : i32
    %scan3A_6 = arith.constant 1 : i32
    %scan3A_7 = scf.for %scan3A_23 = %scan3A_3 to %scan3A_5 step %scan3A_6 iter_args(%scan3A_24 = %scan3A) -> (i32)  : i32 {
      %broadcast_in_dim3A = arith.constant 0.000000e+00 : f32
      %broadcast_in_dim3A_25 = vector.broadcast %broadcast_in_dim3A : f32 to vector<16xf32>
      %mul3A_26 = arith.constant 16 : i32
      %mul3A_27 = arith.muli %scan3A_23, %mul3A_26 : i32
      %swap3A = arith.index_cast %mul3A_27 : i32 to index
      %swap3A_28 = tpu.vector_load %arg10[%swap3A] {strides = array<i32>} : memref<640xf32, #tpu.memory_space<vmem>>, vector<16xf32>,
      tpu.vector_store %arg10[%swap3A], %broadcast_in_dim3A_25 {strides = array<i32>} : memref<640xf32, #tpu.memory_space<vmem>>, vector<16xf32>,
      %scan3A_29 = arith.constant 0 : i32
      scf.yield %scan3A_29 : i32
    }
    %scan3A_8 = arith.constant 40 : i32
    %mul3A_9 = arith.constant 640 : i32
    %mul3A_10 = arith.muli %arg1, %mul3A_9 : i32
    "tpu.region"() ({
      %run_scoped3A = tpu.sem_alloc : memref<!tpu.dma_semaphore, #tpu.memory_space<semaphore_mem>>
      %dma_start3A = tpu.memref_slice %arg11[%mul3A_10] : memref<10240xf32, #tpu.memory_space<vmem_shared>> -> memref<640xf32, #tpu.memory_space<vmem_shared>>
      %dma_start3A_23 = tpu.memref_slice %arg11[%mul3A_10] : memref<10240xf32, #tpu.memory_space<vmem_shared>> -> memref<640xf32, #tpu.memory_space<vmem_shared>>
      tpu.enqueue_dma source(%arg10 : memref<640xf32, #tpu.memory_space<vmem>>) target(%dma_start3A_23 : memref<640xf32, #tpu.memory_space<vmem_shared>>) target_semaphore(%run_scoped3A : memref<!tpu.dma_semaphore, #tpu.memory_space<semaphore_mem>>)
      %dma_wait3A = tpu.memref_slice %arg11[%mul3A_10] : memref<10240xf32, #tpu.memory_space<vmem_shared>> -> memref<640xf32, #tpu.memory_space<vmem_shared>>
      %dma_wait3A_24 = tpu.memref_slice %arg11[%mul3A_10] : memref<10240xf32, #tpu.memory_space<vmem_shared>> -> memref<640xf32, #tpu.memory_space<vmem_shared>>
      tpu.wait_dma2 semaphore(%run_scoped3A : memref<!tpu.dma_semaphore, #tpu.memory_space<semaphore_mem>>) src(%arg10 : memref<640xf32, #tpu.memory_space<vmem>>) dst(%dma_wait3A_24 : memref<640xf32, #tpu.memory_space<vmem_shared>>)
      tpu.yield
    }) : () -> ()
    %barrier3A = arith.constant 0 : index
    tpu.barrier barrier_id(%barrier3A)
    %scan3A_11 = arith.constant 0 : i32
    %scan3A_12 = arith.constant 0 : i32
    %scan3A_13 = arith.constant 125 : i32
    %scan3A_14 = arith.addi %scan3A_12, %scan3A_13 : i32
    %scan3A_15 = arith.constant 1 : i32
    %scan3A_16 = scf.for %scan3A_23 = %scan3A_12 to %scan3A_14 step %scan3A_15 iter_args(%scan3A_24 = %scan3A_11) -> (i32)  : i32 {
      %scan3A_25 = arith.constant 0 : i32
      %scan3A_26 = arith.constant 0 : i32
      %scan3A_27 = arith.constant 5 : i32
      %scan3A_28 = arith.addi %scan3A_26, %scan3A_27 : i32
      %scan3A_29 = arith.constant 1 : i32
      %scan3A_30 = scf.for %scan3A_33 = %scan3A_26 to %scan3A_28 step %scan3A_29 iter_args(%scan3A_34 = %scan3A_25) -> (i32)  : i32 {
        %mul3A_35 = arith.constant 80 : i32
        %mul3A_36 = arith.muli %scan3A_23, %mul3A_35 : i32
        %mul3A_37 = arith.constant 16 : i32
        %mul3A_38 = arith.muli %scan3A_33, %mul3A_37 : i32
        %add3A_39 = arith.addi %mul3A_36, %mul3A_38 : i32
        %get3A = arith.index_cast %add3A_39 : i32 to index
        %get3A_40 = tpu.vector_load %arg7[%get3A] {strides = array<i32>} : memref<10000xi32, #tpu.memory_space<vmem>>, vector<16xi32>,
        %gather3A = tpu.vector_load_idx %arg6[%get3A_40] : memref<10240xf32, #tpu.memory_space<vmem>>[vector<16xi32>], vector<16xf32>,
        %mul3A_41 = arith.constant 16 : i32
        %mul3A_42 = arith.muli %scan3A_33, %mul3A_41 : i32
        %swap3A = arith.index_cast %scan3A_23 : i32 to index
        %swap3A_43 = arith.index_cast %mul3A_42 : i32 to index
        %swap3A_44 = tpu.vector_load %arg9[%swap3A, %swap3A_43] {strides = array<i32>} : memref<125x80xf32, #tpu.memory_space<vmem>>, vector<16xf32>,
        tpu.vector_store %arg9[%swap3A, %swap3A_43], %gather3A {strides = array<i32>} : memref<125x80xf32, #tpu.memory_space<vmem>>, vector<16xf32>,
        %scan3A_45 = arith.constant 0 : i32
        scf.yield %scan3A_45 : i32
      }
      %scan3A_31 = arith.constant 5 : i32
      "tpu.region"() ({
        %run_scoped3A = tpu.sem_alloc : memref<!tpu.dma_semaphore, #tpu.memory_space<semaphore_mem>>
        %dma_start3A = arith.constant 0 : i32
        %dma_start3A_33 = tpu.memref_slice %arg9[%scan3A_23, %dma_start3A] : memref<125x80xf32, #tpu.memory_space<vmem>> -> memref<1x80xf32, #tpu.memory_space<vmem>>
        %dma_start3A_34 = tpu.memref_squeeze %dma_start3A_33 : memref<1x80xf32, #tpu.memory_space<vmem>> -> memref<80xf32, #tpu.memory_space<vmem>>
        %dma_start3A_35 = arith.constant 0 : i32
        %dma_start3A_36 = tpu.memref_slice %arg8[%scan3A_23, %dma_start3A_35] : memref<125x80xi32, #tpu.memory_space<vmem>> -> memref<1x80xi32, #tpu.memory_space<vmem>>
        %dma_start3A_37 = tpu.memref_squeeze %dma_start3A_36 : memref<1x80xi32, #tpu.memory_space<vmem>> -> memref<80xi32, #tpu.memory_space<vmem>>
        %dma_start3A_38 = arith.constant 0 : i32
        %dma_start3A_39 = tpu.memref_slice %arg11[%dma_start3A_38] : memref<10240xf32, #tpu.memory_space<vmem_shared>> -> memref<10240xf32, #tpu.memory_space<vmem_shared>>
        tpu.enqueue_indirect_dma source(%dma_start3A_34 : memref<80xf32, #tpu.memory_space<vmem>>) target(%dma_start3A_39 : memref<10240xf32, #tpu.memory_space<vmem_shared>>) offsets(%dma_start3A_37 : memref<80xi32, #tpu.memory_space<vmem>>) semaphore(%run_scoped3A : memref<!tpu.dma_semaphore, #tpu.memory_space<semaphore_mem>>) {add = true}
        %dma_wait3A = arith.constant 0 : i32
        %dma_wait3A_40 = tpu.memref_slice %arg9[%scan3A_23, %dma_wait3A] : memref<125x80xf32, #tpu.memory_space<vmem>> -> memref<1x80xf32, #tpu.memory_space<vmem>>
        %dma_wait3A_41 = tpu.memref_squeeze %dma_wait3A_40 : memref<1x80xf32, #tpu.memory_space<vmem>> -> memref<80xf32, #tpu.memory_space<vmem>>
        %dma_wait3A_42 = arith.constant 0 : i32
        %dma_wait3A_43 = tpu.memref_slice %arg8[%scan3A_23, %dma_wait3A_42] : memref<125x80xi32, #tpu.memory_space<vmem>> -> memref<1x80xi32, #tpu.memory_space<vmem>>
        %dma_wait3A_44 = tpu.memref_squeeze %dma_wait3A_43 : memref<1x80xi32, #tpu.memory_space<vmem>> -> memref<80xi32, #tpu.memory_space<vmem>>
        %dma_wait3A_45 = arith.constant 0 : i32
        %dma_wait3A_46 = tpu.memref_slice %arg11[%dma_wait3A_45] : memref<10240xf32, #tpu.memory_space<vmem_shared>> -> memref<10240xf32, #tpu.memory_space<vmem_shared>>
        tpu.wait_indirect_dma semaphore(%run_scoped3A : memref<!tpu.dma_semaphore, #tpu.memory_space<semaphore_mem>>) src(%dma_wait3A_41 : memref<80xf32, #tpu.memory_space<vmem>>) dst(%dma_wait3A_46 : memref<10240xf32, #tpu.memory_space<vmem_shared>>)
        tpu.yield
      }) : () -> ()
      %scan3A_32 = arith.constant 0 : i32
      scf.yield %scan3A_32 : i32
    }
    %scan3A_17 = arith.constant 125 : i32
    %barrier3A_18 = arith.constant 0 : index
    tpu.barrier barrier_id(%barrier3A_18)
    %mul3A_19 = arith.constant 640 : i32
    %mul3A_20 = arith.muli %arg1, %mul3A_19 : i32
    %mul3A_21 = arith.constant 640 : i32
    %mul3A_22 = arith.muli %arg1, %mul3A_21 : i32
    "tpu.region"() ({
      %run_scoped3A = tpu.sem_alloc : memref<!tpu.dma_semaphore, #tpu.memory_space<semaphore_mem>>
      %dma_start3A = tpu.memref_slice %arg5[%arg0, %mul3A_22] : memref<2x10240xf32, #tpu.memory_space<hbm>> -> memref<1x640xf32, #tpu.memory_space<hbm>>
      %dma_start3A_23 = tpu.memref_squeeze %dma_start3A : memref<1x640xf32, #tpu.memory_space<hbm>> -> memref<640xf32, #tpu.memory_space<hbm>>
      %dma_start3A_24 = tpu.memref_slice %arg11[%mul3A_20] : memref<10240xf32, #tpu.memory_space<vmem_shared>> -> memref<640xf32, #tpu.memory_space<vmem_shared>>
      tpu.enqueue_dma source(%dma_start3A_24 : memref<640xf32, #tpu.memory_space<vmem_shared>>) target(%dma_start3A_23 : memref<640xf32, #tpu.memory_space<hbm>>) target_semaphore(%run_scoped3A : memref<!tpu.dma_semaphore, #tpu.memory_space<semaphore_mem>>)
      %dma_wait3A = tpu.memref_slice %arg5[%arg0, %mul3A_22] : memref<2x10240xf32, #tpu.memory_space<hbm>> -> memref<1x640xf32, #tpu.memory_space<hbm>>
      %dma_wait3A_25 = tpu.memref_squeeze %dma_wait3A : memref<1x640xf32, #tpu.memory_space<hbm>> -> memref<640xf32, #tpu.memory_space<hbm>>
      %dma_wait3A_26 = tpu.memref_slice %arg11[%mul3A_20] : memref<10240xf32, #tpu.memory_space<vmem_shared>> -> memref<640xf32, #tpu.memory_space<vmem_shared>>
      tpu.wait_dma2 semaphore(%run_scoped3A : memref<!tpu.dma_semaphore, #tpu.memory_space<semaphore_mem>>) src(%dma_wait3A_26 : memref<640xf32, #tpu.memory_space<vmem_shared>>) dst(%dma_wait3A_25 : memref<640xf32, #tpu.memory_space<hbm>>)
      tpu.yield
    }) : () -> ()
    return
  }
}

module attributes {stable_mosaic.version = 14 : i64} {
  func.func @_tc_hs_body(%arg0: memref<10240x128xf32, #tpu.memory_space<vmem>>, %arg1: memref<128x128xf32, #tpu.memory_space<vmem>>, %arg2: memref<2x10240xf32, #tpu.memory_space<vmem>>, %arg3: memref<10240x128xf32, #tpu.memory_space<vmem>>, %arg4: memref<10240xf32, #tpu.memory_space<vmem>>) attributes {dimension_semantics = [], scalar_prefetch = 0 : i64, scratch_operands = 0 : i64, tpu.core_type = #tpu.core_type<tc>} {
    %get3A = arith.constant 0 : index
    %get3A_0 = arith.constant 0 : index
    %get3A_1 = vector.load %arg2[%get3A, %get3A_0] : memref<2x10240xf32, #tpu.memory_space<vmem>>, vector<1x10240xf32>
    %get3A_2 = vector.shape_cast %get3A_1 : vector<1x10240xf32> to vector<10240xf32>
    %get3A_3 = arith.constant 1 : index
    %get3A_4 = arith.constant 0 : index
    %get3A_5 = vector.load %arg2[%get3A_3, %get3A_4] : memref<2x10240xf32, #tpu.memory_space<vmem>>, vector<1x10240xf32>
    %get3A_6 = vector.shape_cast %get3A_5 : vector<1x10240xf32> to vector<10240xf32>
    %add3A = arith.addf %get3A_2, %get3A_6 : vector<10240xf32>
    %add3A_7 = arith.constant 1.000000e+00 : f32
    %add3A_8 = vector.broadcast %add3A_7 : f32 to vector<10240xf32>
    %add3A_9 = arith.addf %add3A, %add3A_8 : vector<10240xf32>
    %sqrt3A = math.sqrt %add3A_9 : vector<10240xf32>
    %div3A = arith.constant 1.000000e+00 : f32
    %div3A_10 = vector.broadcast %div3A : f32 to vector<10240xf32>
    %div3A_11 = arith.divf %div3A_10, %sqrt3A : vector<10240xf32>
    %get3A_12 = arith.constant 0 : index
    %get3A_13 = arith.constant 0 : index
    %get3A_14 = vector.load %arg0[%get3A_12, %get3A_13] : memref<10240x128xf32, #tpu.memory_space<vmem>>, vector<10240x128xf32>
    %convert_element_type3A = arith.truncf %get3A_14 : vector<10240x128xf32> to vector<10240x128xbf16>
    %get3A_15 = arith.constant 0 : index
    %get3A_16 = arith.constant 0 : index
    %get3A_17 = vector.load %arg1[%get3A_15, %get3A_16] : memref<128x128xf32, #tpu.memory_space<vmem>>, vector<128x128xf32>
    %convert_element_type3A_18 = arith.truncf %get3A_17 : vector<128x128xf32> to vector<128x128xbf16>
    %dot_general3A = arith.constant dense<0.000000e+00> : vector<10240x128xf32>
    %dot_general3A_19 = tpu.matmul %convert_element_type3A, %convert_element_type3A_18, %dot_general3A {dimension_numbers = #tpu.dot_dimension_numbers<[1], [0], [0], [1], [0, 0, 1, 1], [], []>, transpose_lhs_hint = false} : vector<10240x128xbf16>, vector<128x128xbf16>, vector<10240x128xf32> -> vector<10240x128xf32>
    %broadcast_in_dim3A = vector.shape_cast %div3A_11 : vector<10240xf32> to vector<10240x1xf32>
    %broadcast_in_dim3A_20 = vector.broadcast %broadcast_in_dim3A : vector<10240x1xf32> to vector<10240x128xf32>
    %mul3A = arith.mulf %dot_general3A_19, %broadcast_in_dim3A_20 : vector<10240x128xf32>
    %swap3A = arith.constant 0 : index
    %swap3A_21 = arith.constant 0 : index
    %swap3A_22 = vector.load %arg3[%swap3A, %swap3A_21] : memref<10240x128xf32, #tpu.memory_space<vmem>>, vector<10240x128xf32>
    tpu.vector_store %arg3[%swap3A, %swap3A_21], %mul3A {strides = array<i32>} : memref<10240x128xf32, #tpu.memory_space<vmem>>, vector<10240x128xf32>,
    %swap3A_23 = arith.constant 0 : index
    %swap3A_24 = vector.load %arg4[%swap3A_23] : memref<10240xf32, #tpu.memory_space<vmem>>, vector<10240xf32>
    tpu.vector_store %arg4[%swap3A_23], %div3A_11 {strides = array<i32>} : memref<10240xf32, #tpu.memory_space<vmem>>, vector<10240xf32>,
    return
  }
}

module attributes {stable_mosaic.version = 14 : i64} {
  func.func @_tc_zs_body(%arg0: memref<2x10240x128xf32, #tpu.memory_space<vmem>>, %arg1: memref<10240x128xf32, #tpu.memory_space<vmem>>, %arg2: memref<10240xf32, #tpu.memory_space<vmem>>, %arg3: memref<128xf32, #tpu.memory_space<vmem>>, %arg4: memref<128xf32, #tpu.memory_space<vmem>>, %arg5: memref<10240xf32, #tpu.memory_space<vmem>>) attributes {dimension_semantics = [], scalar_prefetch = 0 : i64, scratch_operands = 0 : i64, tpu.core_type = #tpu.core_type<tc>} {
    %get3A = arith.constant 0 : index
    %get3A_0 = arith.constant 0 : index
    %get3A_1 = arith.constant 0 : index
    %get3A_2 = vector.load %arg0[%get3A, %get3A_0, %get3A_1] : memref<2x10240x128xf32, #tpu.memory_space<vmem>>, vector<1x10240x128xf32>
    %get3A_3 = vector.shape_cast %get3A_2 : vector<1x10240x128xf32> to vector<10240x128xf32>
    %get3A_4 = arith.constant 1 : index
    %get3A_5 = arith.constant 0 : index
    %get3A_6 = arith.constant 0 : index
    %get3A_7 = vector.load %arg0[%get3A_4, %get3A_5, %get3A_6] : memref<2x10240x128xf32, #tpu.memory_space<vmem>>, vector<1x10240x128xf32>
    %get3A_8 = vector.shape_cast %get3A_7 : vector<1x10240x128xf32> to vector<10240x128xf32>
    %add3A = arith.addf %get3A_3, %get3A_8 : vector<10240x128xf32>
    %get3A_9 = arith.constant 0 : index
    %get3A_10 = arith.constant 0 : index
    %get3A_11 = vector.load %arg1[%get3A_9, %get3A_10] : memref<10240x128xf32, #tpu.memory_space<vmem>>, vector<10240x128xf32>
    %add3A_12 = arith.addf %add3A, %get3A_11 : vector<10240x128xf32>
    %get3A_13 = arith.constant 0 : index
    %get3A_14 = vector.load %arg2[%get3A_13] : memref<10240xf32, #tpu.memory_space<vmem>>, vector<10240xf32>
    %broadcast_in_dim3A = vector.shape_cast %get3A_14 : vector<10240xf32> to vector<10240x1xf32>
    %broadcast_in_dim3A_15 = vector.broadcast %broadcast_in_dim3A : vector<10240x1xf32> to vector<10240x128xf32>
    %get3A_16 = arith.constant 0 : index
    %get3A_17 = vector.load %arg3[%get3A_16] : memref<128xf32, #tpu.memory_space<vmem>>, vector<128xf32>
    %broadcast_in_dim3A_18 = vector.shape_cast %get3A_17 : vector<128xf32> to vector<1x128xf32>
    %broadcast_in_dim3A_19 = vector.broadcast %broadcast_in_dim3A_18 : vector<1x128xf32> to vector<10240x128xf32>
    %mul3A = arith.mulf %add3A_12, %broadcast_in_dim3A_15 : vector<10240x128xf32>
    %add3A_20 = arith.addf %mul3A, %broadcast_in_dim3A_19 : vector<10240x128xf32>
    %max3A = arith.constant 0.000000e+00 : f32
    %max3A_21 = vector.broadcast %max3A : f32 to vector<10240x128xf32>
    %max3A_22 = arith.maximumf %add3A_20, %max3A_21 : vector<10240x128xf32>
    %convert_element_type3A = arith.truncf %max3A_22 : vector<10240x128xf32> to vector<10240x128xbf16>
    %convert_element_type3A_23 = arith.extf %convert_element_type3A : vector<10240x128xbf16> to vector<10240x128xf32>
    %get3A_24 = arith.constant 0 : index
    %get3A_25 = vector.load %arg4[%get3A_24] : memref<128xf32, #tpu.memory_space<vmem>>, vector<128xf32>
    %convert_element_type3A_26 = arith.truncf %get3A_25 : vector<128xf32> to vector<128xbf16>
    %convert_element_type3A_27 = arith.extf %convert_element_type3A_26 : vector<128xbf16> to vector<128xf32>
    %broadcast_in_dim3A_28 = vector.shape_cast %convert_element_type3A_27 : vector<128xf32> to vector<1x128xf32>
    %broadcast_in_dim3A_29 = vector.broadcast %broadcast_in_dim3A_28 : vector<1x128xf32> to vector<10240x128xf32>
    %mul3A_30 = arith.mulf %convert_element_type3A_23, %broadcast_in_dim3A_29 : vector<10240x128xf32>
    %reduce_sum3A = arith.constant dense<0.000000e+00> : vector<10240xf32>
    %reduce_sum3A_31 = vector.multi_reduction <add>, %mul3A_30, %reduce_sum3A [1] : vector<10240x128xf32> to vector<10240xf32>
    %mul3A_32 = arith.mulf %reduce_sum3A_31, %get3A_14 : vector<10240xf32>
    %swap3A = arith.constant 0 : index
    %swap3A_33 = vector.load %arg5[%swap3A] : memref<10240xf32, #tpu.memory_space<vmem>>, vector<10240xf32>
    tpu.vector_store %arg5[%swap3A], %mul3A_32 {strides = array<i32>} : memref<10240xf32, #tpu.memory_space<vmem>>, vector<10240xf32>,
    return
  }
}

module attributes {stable_mosaic.version = 14 : i64} {
  func.func @_tc_out_body(%arg0: memref<2x10240xf32, #tpu.memory_space<vmem>>, %arg1: memref<10240xf32, #tpu.memory_space<vmem>>, %arg2: memref<10240xf32, #tpu.memory_space<vmem>>, %arg3: memref<1xf32, #tpu.memory_space<vmem>>, %arg4: memref<10240xf32, #tpu.memory_space<vmem>>) attributes {dimension_semantics = [], scalar_prefetch = 0 : i64, scratch_operands = 0 : i64, tpu.core_type = #tpu.core_type<tc>} {
    %get3A = arith.constant 0 : index
    %get3A_0 = arith.constant 0 : index
    %get3A_1 = vector.load %arg0[%get3A, %get3A_0] : memref<2x10240xf32, #tpu.memory_space<vmem>>, vector<1x10240xf32>
    %get3A_2 = vector.shape_cast %get3A_1 : vector<1x10240xf32> to vector<10240xf32>
    %get3A_3 = arith.constant 1 : index
    %get3A_4 = arith.constant 0 : index
    %get3A_5 = vector.load %arg0[%get3A_3, %get3A_4] : memref<2x10240xf32, #tpu.memory_space<vmem>>, vector<1x10240xf32>
    %get3A_6 = vector.shape_cast %get3A_5 : vector<1x10240xf32> to vector<10240xf32>
    %add3A = arith.addf %get3A_2, %get3A_6 : vector<10240xf32>
    %get3A_7 = arith.constant 0 : index
    %get3A_8 = vector.load %arg1[%get3A_7] : memref<10240xf32, #tpu.memory_space<vmem>>, vector<10240xf32>
    %add3A_9 = arith.addf %add3A, %get3A_8 : vector<10240xf32>
    %get3A_10 = arith.constant 0 : index
    %get3A_11 = vector.load %arg2[%get3A_10] : memref<10240xf32, #tpu.memory_space<vmem>>, vector<10240xf32>
    %mul3A = arith.mulf %add3A_9, %get3A_11 : vector<10240xf32>
    %get3A_12 = arith.constant 0 : index
    %get3A_13 = vector.load %arg3[%get3A_12] : memref<1xf32, #tpu.memory_space<vmem>>, vector<1xf32>
    %add3A_14 = vector.broadcast %get3A_13 : vector<1xf32> to vector<10240xf32>
    %add3A_15 = arith.addf %mul3A, %add3A_14 : vector<10240xf32>
    %swap3A = arith.constant 0 : index
    %swap3A_16 = vector.load %arg4[%swap3A] : memref<10240xf32, #tpu.memory_space<vmem>>, vector<10240xf32>
    tpu.vector_store %arg4[%swap3A], %add3A_15 {strides = array<i32>} : memref<10240xf32, #tpu.memory_space<vmem>>, vector<10240xf32>,
    return
  }
}

</mosaic_0001>

<sc_bundles>
// kernel: kernel.11.cloned.1.call-start
scs
__scs_entry_jumppad:
0x0: {  	(pc) =	sbr.rel $0x88, $3  }
0x1: {  	(tag) =	ssettag $0x0;
	lr =	simm.s32 $0x1  }
0x2: {  	[smem:$0x3F9B] =	sst lr;
	_ =	strace $0xD0000000  }
0x3: {  	_ = 	snop  }
0x4: {  	_ = 	snop  }
0x5: {  	_ = 	snop  }
0x6: {  	_ = 	snop  }
0x7: {  	_ = 	snop  }
__scs_overlays_trampoline_lowered:
0x8: {  	[smem:$0x3FAA] =	sst s0  }
0x9: {  	[smem:$0x3FAB] =	sst s1  }
0xa: {  	[smem:$0x3FAC] =	sst s2  }
0xb: {  	[smem:$0x3FAD] =	sst s3  }
0xc: {  	[smem:$0x3FAE] =	sst s4  }
0xd: {  	[smem:$0x3FAF] =	sst s5  }
0xe: {  	[smem:$0x3FB0] =	sst s6  }
0xf: {  	[smem:$0x3FB1] =	sst s7  }
0x10: {  	[smem:$0x3FB2] =	sst s8  }
0x11: {  	[smem:$0x3FB3] =	sst s9;
	s0 =	simm.s32 @!p0 $0x0  }
0x12: {  	s1 =	sld [smem:$0x3F99];
	s0 =	simm.s32 @p0 $0x1  }
0x13: {  	[smem:$0x3FB4] =	sst s0;
	s0 =	simm.s32 @!p1 $0x0  }
0x14: {  	s2 =	sld [smem:$0x3F98];
	s0 =	simm.s32 @p1 $0x1  }
0x15: {  	[smem:$0x3FB5] =	sst s0;
	s0 =	simm.s32 @!p2 $0x0  }
0x16: {  	s3 =	sld [smem:$0x3FDB];
	s0 =	simm.s32 @p2 $0x1  }
0x17: {  	s4 =	simm.s32 $0x1BF5;
	[smem:$0x3FB7] =	sst s0  }
0x18: {  	s0 =	sld [smem:$0x3F9A];
	_ =	swait.ge [sflag:s4], $0x0  }
0x19: {  	s7 =	sld [smem:$0x3F9B]  }
0x1a: {  	s8 =	sadd.s32 $0xFFFFE003, lr  }
0x1b: {  	s9 =	sadd.s32 $0xFFFFFEF7, lr;
	s5 =	simm.s32 $0xFFFFFFFF;
	p2 =	slt.u32 s8, $0xFFFFF086  }
0x1c: {  	p1 =	slt.u32 s9, $0xF7A;
	s5 =	simm.s32 @!p2 $0x0  }
0x1d: {  	s5 =	simm.s32 @p1 $0x1;
	p0 =	seq.s32 s7, s2  }
0x1e: {  	s7 =	smul.u32 @!p0 $0xF7A, s2;
	p2 =	seq.s32 @!p0 s5, $0x0  }
0x1f: {  	s9 =	smul.u32 $0xF7A, s1;
	s8 =	simm.s32 @!p0 $0x1BF5;
	p2 =	por !p2, p0  }
0x20: {  	[sflag:s8] =	ssyncset.s32 @!p0 $0xFFFFF086;
	s6 =	sadd.s32 @!p0 s3, s7;
	s7 =	simm.s32 @!p0 $0x108  }
0x21: {  	s3 =	sadd.s32 s3, s9;
	s6 =	sadd.s32 @!p0 $0x88, s6;
	s7 =	simm.s32 @p2 $0x1082  }
0x22: {  	[simem:s7], [sflag:s8] =	dma.local @!p0 [hbm:s6], $0xF7A  }
0x23: {  	s9 =	sor.u32 $0xD0000000, s2;
	s6 =	simm.s32 $0x108;
	_ =	swait.ge @!p0 [sflag:s8], $0x0  }
0x24: {  	s3 =	sadd.s32 $0x88, s3;
	s6 =	simm.s32 @!p1 $0x1082;
	[sflag:s4] =	ssyncset.s32 $0xFFFFF086  }
0x25: {  	[simem:s6], [sflag:s4] =	dma.local [hbm:s3], $0xF7A  }
0x26: {  	[smem:$0x3F9B] =	sst s1;
	(tag) =	ssettag s2;
	_ =	strace s9  }
0x27: {  	s1 =	sld [smem:$0x3FAB]  }
0x28: {  	s2 =	sld [smem:$0x3FAC]  }
0x29: {  	s4 =	sld [smem:$0x3FAE]  }
0x2a: {  	p0 =	seq.s32 s5, $0x0;
	s5 =	sld [smem:$0x3FAF]  }
0x2b: {  	s6 =	sld [smem:$0x3FB0]  }
0x2c: {  	s7 =	sld [smem:$0x3FB1]  }
0x2d: {  	s3 =	simm.s32 $0x108;
	s8 =	sld [smem:$0x3FB2]  }
0x2e: {  	s3 =	simm.s32 @!p0 $0x1082;
	s9 =	sld [smem:$0x3FB3]  }
0x2f: {  	lr =	sadd.s32 s0, s3;
	s0 =	sld [smem:$0x3FAA]  }
0x30: {  	s3 =	sld [smem:$0x3FAD]  }
0x31: {  	[smem:$0x3FB6] =	sst s10  }
0x32: {  	s10 =	sld [smem:$0x3FB4];
	_ =	sdelay $0x3  }
0x33: {  	p0 =	seq.s32 s10, $0x1;
	s10 =	sld [smem:$0x3FB6];
	_ =	sdelay $0x3  }
0x34: {  	[smem:$0x3FB6] =	sst s10  }
0x35: {  	s10 =	sld [smem:$0x3FB5];
	_ =	sdelay $0x3  }
0x36: {  	p1 =	seq.s32 s10, $0x1;
	s10 =	sld [smem:$0x3FB6];
	_ =	sdelay $0x3  }
0x37: {  	[smem:$0x3FB6] =	sst s10  }
0x38: {  	s10 =	sld [smem:$0x3FB7]  }
0x39: {  	_ = 	snop;
	(pc) =	sbr.ind lr, $3  }
0x3a: {  	_ = 	snop  }
0x3b: {  	_ = 	snop  }
0x3c: {  	p2 =	seq.s32 s10, $0x1;
	s10 =	sld [smem:$0x3FB6]  }
0x3d: {  	_ =	shalt  }
0x3e: {  	_ =	shalt  }
0x3f: {  	_ =	shalt  }
0x40: {  	_ =	shalt  }
0x41: {  	_ =	shalt  }
0x42: {  	_ =	shalt  }
0x43: {  	_ =	shalt  }
0x44: {  	_ =	shalt  }
0x45: {  	_ =	shalt  }
0x46: {  	_ =	shalt  }
0x47: {  	_ =	shalt  }
0x48: {  	_ =	shalt  }
0x49: {  	_ =	shalt  }
0x4a: {  	_ =	shalt  }
0x4b: {  	_ =	shalt  }
0x4c: {  	_ =	shalt  }
0x4d: {  	_ =	shalt  }
0x4e: {  	_ =	shalt  }
0x4f: {  	_ =	shalt  }
0x50: {  	_ =	shalt  }
0x51: {  	_ =	shalt  }
0x52: {  	_ =	shalt  }
0x53: {  	_ =	shalt  }
0x54: {  	_ =	shalt  }
0x55: {  	_ =	shalt  }
0x56: {  	_ =	shalt  }
0x57: {  	_ =	shalt  }
0x58: {  	_ =	shalt  }
0x59: {  	_ =	shalt  }
0x5a: {  	_ =	shalt  }
0x5b: {  	_ =	shalt  }
0x5c: {  	_ =	shalt  }
0x5d: {  	_ =	shalt  }
0x5e: {  	_ =	shalt  }
0x5f: {  	_ =	shalt  }
0x60: {  	_ =	shalt  }
0x61: {  	_ =	shalt  }
0x62: {  	_ =	shalt  }
0x63: {  	_ =	shalt  }
0x64: {  	_ =	shalt  }
0x65: {  	_ =	shalt  }
0x66: {  	_ =	shalt  }
0x67: {  	_ =	shalt  }
0x68: {  	_ =	shalt  }
0x69: {  	_ =	shalt  }
0x6a: {  	_ =	shalt  }
0x6b: {  	_ =	shalt  }
0x6c: {  	_ =	shalt  }
0x6d: {  	_ =	shalt  }
0x6e: {  	_ =	shalt  }
0x6f: {  	_ =	shalt  }
0x70: {  	_ =	shalt  }
0x71: {  	_ =	shalt  }
0x72: {  	_ =	shalt  }
0x73: {  	_ =	shalt  }
0x74: {  	_ =	shalt  }
0x75: {  	_ =	shalt  }
0x76: {  	_ =	shalt  }
0x77: {  	_ =	shalt  }
0x78: {  	_ =	shalt  }
0x79: {  	_ =	shalt  }
0x7a: {  	_ =	shalt  }
0x7b: {  	_ =	shalt  }
0x7c: {  	_ =	shalt  }
0x7d: {  	_ =	shalt  }
0x7e: {  	_ =	shalt  }
0x7f: {  	_ =	shalt  }
0x80: {  	_ =	shalt  }
0x81: {  	_ =	shalt  }
0x82: {  	_ =	shalt  }
0x83: {  	_ =	shalt  }
0x84: {  	_ =	shalt  }
0x85: {  	_ =	shalt  }
0x86: {  	_ =	shalt  }
0x87: {  	_ =	shalt  }
.Lfunc_end0:
.L_simem_size_0:
called_computation.1_lowered:
.L_overlay_start_0:
0x88: {  	s2 =	sld [smem:$0x3FD9]  }
0x89: {  	s3 =	sld [smem:$0x3FFE];
	_ =	sdelay $0x1  }
0x8a: {  	s1 =	srdreg.scid  }
0x8b: {  	s0 =	sand.u32 $0x1, s1  }
0x8c: {  	s16 =	sshll.u32 s0, $0xA;
	s2 =	sadd.s32 s3, s2  }
0x8d: {  	s2 =	sadd.s32 s2, s16  }
0x8e: {  	[smem:$0x3FC2] =	sst s2  }
0x8f: {  	_ = 	snop  }
0x90: {  	(tm) =	ssettm $0x1  }
0x91: {  	s17 =	sld [smem:$0x3FFB];
	_ =	sdelay $0x3  }
0x92: {  	_ =	strace s17  }
0x93: {  	s2 =	sld [smem:$0x3FFC];
	_ =	sdelay $0x3  }
0x94: {  	_ =	strace s2  }
0x95: {  	s2 =	sld [smem:$0x3FFD];
	_ =	sdelay $0x3  }
0x96: {  	_ =	strace s2  }
0x97: {  	_ =	strace $0x8FFFFFFF  }
0x98: {  	s18 =	sld [smem:$0x3FDB];
	_ =	sdelay $0x1  }
0x99: {  	s19 =	simm.s32 $_scs_section_size  }
0x9a: {  	s4 =	simm.s32 $_size__tile_overlayer_lowered;
	s5 =	simm.s32 $_tile_overlayer_lowered  }
0x9b: {  	s22 =	simm.s32 $0x1BFF;
	s21 =	sshll.u32 s5, $0x1;
	s2 =	sadd.s32 s19, s18  }
0x9c: {  	s6 =	simm.s32 $0x0;
	s20 =	sshll.u32 s4, $0x1;
	s4 =	sadd.s32 s21, s2  }
0x9d: {  	[timem:s6], [sflag:s22] =	dma.local [hbm:s4], s20  }
0x9e: {  	_ =	swait.ge [sflag:s22], s20  }
0x9f: {  	s3 =	ssub.s32 $0x0, s20;
	[sflag:s22] =	ssyncset.done $0x0  }
0xa0: {  	[sflag:s22] =	ssyncadd.s32 s3;
	_ =	sdelay $0x1  }
0xa1: {  	s23 =	simm.s32 $0x1B8B  }
0xa2: {  	_ =	swait.ge [sflag:s23], $0x1  }
0xa3: {  	[sflag:s23] =	ssyncset.done $0x0  }
0xa4: {  	s25 =	simm.s32 $0x1B8E;
	s24 =	sld [smem:$0x3FFE];
	[sflag:s23] =	ssyncadd.s32 $0xFFFFFFFF  }
0xa5: {  	s26 =	simm.s32 $execute0_lowered;
	[smem:$0x3FD2] =	sst s25  }
0xa6: {  	s4 =	sshll.u32 s26, $0x1;
	_ =	strace $0x80000049;
	[dreg:$0x1] =	wrdreg $0xFFFFFFFF  }
0xa7: {  	s28 =	simm.s32 $_size_execute0_lowered;
	s2 =	sadd.s32 s2, s4;
	[dreg:$0x0] =	wrdreg $0x0  }
0xa8: {  	s4 =	sshll.u32 s28, $0x1;
	[dreg:$0x2] =	wrdreg s2  }
0xa9: {  	[dreg:$0x3] =	wrdreg s4  }
0xaa: {  	[dreg:$0x4] =	wrdreg $0xC0  }
0xab: {  	_ =	task [dreg:s6], $0x5FFFF  }
0xac: {  	[dreg:$0x1] =	wrdreg $0xFFFFFFFF  }
0xad: {  	[dreg:$0x0] =	wrdreg $0x60  }
0xae: {  	[dreg:$0x2] =	wrdreg s24  }
0xaf: {  	[dreg:$0x3] =	wrdreg $0xB7800  }
0xb0: {  	[dreg:$0x4] =	wrdreg $0x9  }
0xb1: {  	_ =	task.clear_ibuf [dreg:s6], $0x5FFFF;
	_ =	strace $0x90000049  }
0xb2: {  	s29 =	simm.s32 $0x9;
	_ =	strace $0x8000004B  }
0xb3: {  	_ =	swait.ge [sflag:s29], $0x1  }
0xb4: {  	[sflag:s29] =	ssyncadd.s32 $0xFFFFFFFF  }
0xb5: {  	_ =	strace $0x9000004B  }
0xb6: {  	_ =	sfence  }
0xb7: {  	s30 =	sld [smem:$0x0];
	_ =	sdelay $0x2  }
0xb8: {  	s31 =	sshll.u32 s1, $0xD;
	s1 =	sshrl.u32 s1, $0x2  }
0xb9: {  	s3 =	sand.u32 $0x4000, s31;
	s1 =	sadd.s32 s1, s30  }
0xba: {  	s0 =	sor.u32 s3, s0;
	s1 =	sshll.u32 s1, $0x11  }
0xbb: {  	s0 =	sor.u32 s1, s0  }
0xbc: {  	s0 =	sadd.s32 $0x8F2B, s0  }
0xbd: {  	[sflag:s0] =	ssyncadd.remote.s32 $0x1  }
0xbe: {  	_ =	sfence.sel $0xFFFF  }
0xbf: {  	[dreg:$0x0] =	wrdreg $0xFFFFFFFF;
	(pc) =	sbr.abs _section_cstart, $3  }
0xc0: {  	[dreg:$0x1] =	wrdreg $0xFFFFFFFF  }
0xc1: {  	_ =	task.clear_ibuf [dreg:s6], $0x2FFFF;
	_ =	strace $0x9FFFFFFF  }
0xc2: {  	(tm) =	ssettm $0x7FFFFFFF  }
0xc3: {  	_ =	shalt  }
tec
execute0_lowered:
.L_overlay_start_1:
0x0: {  	(tag) =	ssettag $0x1  }
0x1: {  	s0 =	srdreg.scid  }
0x2: {  	s5 =	rddreg [dreg:$0x0];
	s30 =	stileid.u32  }
0x3: {  	s2 =	rddreg [dreg:$0x1];
	s17 =	simm.s32 $0x3;
	s18 =	simm.s32 $0x50  }
0x4: {  	s19 =	simm.s32 $0x6780;
	s21 =	simm.s32 $0x8F80;
	s22 =	simm.s32 $0x1  }
0x5: {  	s23 =	simm.s32 $0x2;
	s24 =	simm.s32 $0x6480;
	s25 =	simm.s32 $0x26C0  }
0x6: {  	s26 =	simm.s32 $0x6500;
	s28 =	simm.s32 $0x6580;
	s9 =	smul.u32 $0x14000, s30  }
0x7: {  	s29 =	simm.s32 $0x0;
	s1 =	sand.u32 $0x1, s0;
	s31 =	smul.u32 $0x50000, s30  }
0x8: {  	s4 =	sadd.s32 $0x1C600, s5;
	s3 =	sshll.u32 s1, $0x4;
	s8 =	smul.u32 $0x140000, s1  }
0x9: {  	s1 =	ssub.s32 $0x2, s1;
	s6 =	sor.u32 s30, s3;
	s3 =	simm.s32 $0x0  }
0xa: {  	s10 =	sshrl.u32 s1, $0x1;
	s7 =	smul.u32 $0x4E2, s6;
	[smem:$0x7FF] =	sst s3  }
0xb: {  	s6 =	sshll.u32 s6, $0xB;
	s8 =	sadd.s32 s9, s8;
	s1 =	ssub.s32 s1, s10  }
0xc: {  	s9 =	sshrl.u32 s31, $0x2;
	_ =	strace $0x8000004A;
	s8 =	sshrl.u32 s8, $0x3  }
0xd: {  	s6 =	sadd.s32 s6, s5;
	s7 =	sadd.s32 s7, s5;
	s8 =	sadd.s32 s8, s5  }
0xe: {  	s6 =	sadd.s32 $0xC600, s6;
	s5 =	sadd.s32 $0x2800, s7;
	s7 =	sadd.s32 s9, s2  }
0xf: {  	s8 =	sadd.s32 $0x44600, s8;
	s9 =	smax.u32 s1, $0x1;
	s10 =	sadd.s32 $0x2800, s7  }
0x10: {  	s11 =	sadd.s32 $0x5000, s7;
	s12 =	sadd.s32 $0x7800, s7;
	s13 =	sadd.s32 $0xA000, s7  }
0x11: {  	v0 =	vimm.f32 $0.0e+00;
	s14 =	sadd.s32 $0xC800, s7;
	s15 =	sadd.s32 $0xF000, s7;
	s16 =	sadd.s32 $0x11800, s7  }
.LBB2_1:
0x12: {  	[tilespmem:s3], [sflag:$0x3] =	stream.linear.gather [hbm4b:s5+s3], $0x2710, $0x38;
	[tilespmem:$0x1F780] =	vst v63  }
0x13: {  	_ =	swait.ge [sflag:s17], $0x2710  }
0x14: {  	[sflag:s17] =	ssyncset.done $0x0  }
0x15: {  	[sflag:s17] =	ssyncadd.s32 $0xFFFFD8F0  }
0x16: {  	[tilespmem:s19], [sflag:$0x1] =	stream.indirect.gather [hbm4b:s4+s18], $0x80, s3, s18, $0xb8;
	[tilespmem:$0x1F780] =	vst v63  }
0x17: {  	s0 =	simm.s32 $0x2780  }
0x18: {  	[tilespmem:s0], [sflag:$0x3] =	stream.linear.gather [hbm4b:s6+s3], $0x3E80, $0x38;
	[tilespmem:$0x1F780] =	vst v63  }
0x19: {  	_ =	swait.ge [sflag:s17], $0x3E80  }
0x1a: {  	[sflag:s17] =	ssyncset.done $0x0  }
0x1b: {  	s1 =	simm.s32 $0x70;
	s30 =	simm.s32 $0x3C0;
	[sflag:s17] =	ssyncadd.s32 $0xFFFFC180  }
.LBB2_2:
0x1c: {  	p0 =	sne.s32 s30, $0x9FC0;
	[tilespmem:s1+$0x8F80] =	vst v0  }
0x1d: {  	[tilespmem:s1+$0x8F10] =	vst v0  }
0x1e: {  	[tilespmem:s1+$0x8F20] =	vst v0  }
.Ltmp0:
0x1f: {  	[tilespmem:s1+$0x8F30] =	vst v0;
	(pc) =	sbr.rel @p0 .LBB2_2-.Ltmp0, $4  }
0x20: {  	[tilespmem:s1+$0x8F40] =	vst v0  }
0x21: {  	[tilespmem:s1+$0x8F50] =	vst v0  }
0x22: {  	[tilespmem:s1+$0x8F60] =	vst v0  }
0x23: {  	[tilespmem:s1+$0x8F70] =	vst v0;
	s1 =	sshra.s32 s30, $0x2;
	s30 =	sadd.s32 $0x200, s30  }
0x24: {  	[tilespmem:s1+$0x8F80] =	vst v0  }
0x25: {  	[tilespmem:s1+$0x8F10] =	vst v0  }
0x26: {  	[tilespmem:s1+$0x8F20] =	vst v0  }
0x27: {  	[tilespmem:s1+$0x8F30] =	vst v0  }
0x28: {  	[tilespmem:s1+$0x8F40] =	vst v0  }
0x29: {  	[tilespmem:s1+$0x8F50] =	vst v0  }
0x2a: {  	[tilespmem:s1+$0x8F60] =	vst v0  }
0x2b: {  	[tilespmem:s1+$0x8F70] =	vst v0  }
0x2c: {  	[spmem:s7] =	stream.linear.scatter [tilespmem:s21], [sflag:$0x3], $0x2800, $0x38;
	[tilespmem:$0x1F780] =	vst v63  }
0x2d: {  	_ =	swait.ge [sflag:s17], $0x2800  }
0x2e: {  	[sflag:s17] =	ssyncset.done $0x0  }
0x2f: {  	[sflag:s17] =	ssyncadd.s32 $0xFFFFD800  }
0x30: {  	[spmem:s10] =	stream.linear.scatter [tilespmem:s21], [sflag:$0x3], $0x2800, $0x38;
	[tilespmem:$0x1F780] =	vst v63  }
0x31: {  	_ =	swait.ge [sflag:s17], $0x2800  }
0x32: {  	[sflag:s17] =	ssyncset.done $0x0  }
0x33: {  	[sflag:s17] =	ssyncadd.s32 $0xFFFFD800  }
0x34: {  	[spmem:s11] =	stream.linear.scatter [tilespmem:s21], [sflag:$0x3], $0x2800, $0x38;
	[tilespmem:$0x1F780] =	vst v63  }
0x35: {  	_ =	swait.ge [sflag:s17], $0x2800  }
0x36: {  	[sflag:s17] =	ssyncset.done $0x0  }
0x37: {  	[sflag:s17] =	ssyncadd.s32 $0xFFFFD800  }
0x38: {  	[spmem:s12] =	stream.linear.scatter [tilespmem:s21], [sflag:$0x3], $0x2800, $0x38;
	[tilespmem:$0x1F780] =	vst v63  }
0x39: {  	_ =	swait.ge [sflag:s17], $0x2800  }
0x3a: {  	[sflag:s17] =	ssyncset.done $0x0  }
0x3b: {  	[sflag:s17] =	ssyncadd.s32 $0xFFFFD800  }
0x3c: {  	[spmem:s13] =	stream.linear.scatter [tilespmem:s21], [sflag:$0x3], $0x2800, $0x38;
	[tilespmem:$0x1F780] =	vst v63  }
0x3d: {  	_ =	swait.ge [sflag:s17], $0x2800  }
0x3e: {  	[sflag:s17] =	ssyncset.done $0x0  }
0x3f: {  	[sflag:s17] =	ssyncadd.s32 $0xFFFFD800  }
0x40: {  	[spmem:s14] =	stream.linear.scatter [tilespmem:s21], [sflag:$0x3], $0x2800, $0x38;
	[tilespmem:$0x1F780] =	vst v63  }
0x41: {  	_ =	swait.ge [sflag:s17], $0x2800  }
0x42: {  	[sflag:s17] =	ssyncset.done $0x0  }
0x43: {  	[sflag:s17] =	ssyncadd.s32 $0xFFFFD800  }
0x44: {  	[spmem:s15] =	stream.linear.scatter [tilespmem:s21], [sflag:$0x3], $0x2800, $0x38;
	[tilespmem:$0x1F780] =	vst v63  }
0x45: {  	_ =	swait.ge [sflag:s17], $0x2800  }
0x46: {  	[sflag:s17] =	ssyncset.done $0x0  }
0x47: {  	[sflag:s17] =	ssyncadd.s32 $0xFFFFD800  }
0x48: {  	[spmem:s16] =	stream.linear.scatter [tilespmem:s21], [sflag:$0x3], $0x2800, $0x38;
	[tilespmem:$0x1F780] =	vst v63  }
0x49: {  	_ =	swait.ge [sflag:s17], $0x2800  }
0x4a: {  	[sflag:s17] =	ssyncset.done $0x0  }
0x4b: {  	[sflag:s17] =	ssyncadd.s32 $0xFFFFD800  }
0x4c: {  	[bflag:$0x0] =	sbarrier.arrive $0xFFFF  }
0x4d: {  	[tilespmem:s21], [sflag:$0x2] =	stream.indirect.gather [hbm4b:s4+s18], $0x80, s18, s18, $0xb8;
	[tilespmem:$0x1F780] =	vst v63  }
0x4e: {  	_ =	swait.ge [sflag:s22], $0x2800  }
0x4f: {  	[sflag:s22] =	ssyncset.done $0x0  }
0x50: {  	s20 =	simm.s32 $0x2780;
	[sflag:s22] =	ssyncadd.s32 $0xFFFFD800  }
0x51: {  	[spmem:s2] =	stream.indirect.scatter.add.f32 [tilespmem:s19], [sflag:$0x3], $0x80, s20, s18, $0xb8;
	[tilespmem:$0x1F780] =	vst v63  }
0x52: {  	_ =	swait.ge [sflag:s17], $0x2800  }
0x53: {  	[sflag:s17] =	ssyncset.done $0x0  }
0x54: {  	s0 =	simm.s32 $0xA0;
	[sflag:s17] =	ssyncadd.s32 $0xFFFFD800  }
0x55: {  	[tilespmem:s19], [sflag:$0x1] =	stream.indirect.gather [hbm4b:s4+s18], $0x80, s0, s18, $0xb8;
	[tilespmem:$0x1F780] =	vst v63  }
0x56: {  	_ =	swait.ge [sflag:s23], $0x2800  }
0x57: {  	[sflag:s23] =	ssyncset.done $0x0  }
0x58: {  	s20 =	simm.s32 $0x2800;
	[sflag:s23] =	ssyncadd.s32 $0xFFFFD800  }
0x59: {  	[spmem:s2] =	stream.indirect.scatter.add.f32 [tilespmem:s21], [sflag:$0x3], $0x80, s20, s18, $0xb8;
	[tilespmem:$0x1F780] =	vst v63  }
0x5a: {  	_ =	swait.ge [sflag:s17], $0x2800  }
0x5b: {  	s30 =	simm.s32 $0xF0;
	[sflag:s17] =	ssyncset.done $0x0  }
0x5c: {  	s31 =	simm.s32 $0x400;
	s1 =	simm.s32 $0x190;
	[sflag:s17] =	ssyncadd.s32 $0xFFFFD800  }
.LBB2_4:
0x5d: {  	[tilespmem:s21], [sflag:$0x2] =	stream.indirect.gather [hbm4b:s4+s18], $0x80, s30, s18, $0xb8;
	[tilespmem:$0x1F780] =	vst v63  }
0x5e: {  	s0 =	smov.u32 s31;
	s30 =	smov.u32 s1  }
0x5f: {  	p0 =	sne.s32 s31, $0xF000;
	s31 =	sadd.s32 $0x400, s31;
	_ =	swait.ge [sflag:s22], $0x2800  }
0x60: {  	s0 =	sshra.s32 s0, $0x2;
	[sflag:s22] =	ssyncset.done $0x0  }
0x61: {  	s20 =	sadd.s32 $0x2780, s0;
	[sflag:s22] =	ssyncadd.s32 $0xFFFFD800  }
0x62: {  	[spmem:s2] =	stream.indirect.scatter.add.f32 [tilespmem:s19], [sflag:$0x3], $0x80, s20, s18, $0xb8;
	[tilespmem:$0x1F780] =	vst v63  }
0x63: {  	_ =	swait.ge [sflag:s17], $0x2800  }
0x64: {  	[sflag:s17] =	ssyncset.done $0x0  }
0x65: {  	s20 =	sadd.s32 $0xFFFFFFB0, s1;
	[sflag:s17] =	ssyncadd.s32 $0xFFFFD800  }
0x66: {  	[tilespmem:s19], [sflag:$0x1] =	stream.indirect.gather [hbm4b:s4+s18], $0x80, s20, s18, $0xb8;
	[tilespmem:$0x1F780] =	vst v63  }
0x67: {  	_ =	swait.ge [sflag:s23], $0x2800  }
0x68: {  	[sflag:s23] =	ssyncset.done $0x0  }
.Ltmp1:
0x69: {  	s0 =	sadd.s32 $0x2800, s0;
	[sflag:s23] =	ssyncadd.s32 $0xFFFFD800;
	(pc) =	sbr.rel @p0 .LBB2_4-.Ltmp1, $4  }
0x6a: {  	[spmem:s2] =	stream.indirect.scatter.add.f32 [tilespmem:s21], [sflag:$0x3], $0x80, s0, s18, $0xb8;
	[tilespmem:$0x1F780] =	vst v63  }
0x6b: {  	_ =	swait.ge [sflag:s17], $0x2800  }
0x6c: {  	[sflag:s17] =	ssyncset.done $0x0  }
0x6d: {  	s1 =	sadd.s32 $0xA0, s1;
	[sflag:s17] =	ssyncadd.s32 $0xFFFFD800  }
0x6e: {  	[tilespmem:s21], [sflag:$0x2] =	stream.indirect.gather [hbm4b:s4+s18], $0x80, s30, s18, $0xb8;
	[tilespmem:$0x1F780] =	vst v63  }
0x6f: {  	_ =	swait.ge [sflag:s22], $0x2800  }
0x70: {  	[sflag:s22] =	ssyncset.done $0x0  }
0x71: {  	[sflag:s22] =	ssyncadd.s32 $0xFFFFD800  }
0x72: {  	[spmem:s2] =	stream.indirect.scatter.add.f32 [tilespmem:s19], [sflag:$0x3], $0x80, s24, s18, $0xb8;
	[tilespmem:$0x1F780] =	vst v63  }
0x73: {  	_ =	swait.ge [sflag:s17], $0x2800  }
0x74: {  	[sflag:s17] =	ssyncset.done $0x0  }
0x75: {  	[sflag:s17] =	ssyncadd.s32 $0xFFFFD800  }
0x76: {  	[tilespmem:s19], [sflag:$0x1] =	stream.indirect.gather [hbm4b:s4+s18], $0x80, s25, s18, $0xb8;
	[tilespmem:$0x1F780] =	vst v63  }
0x77: {  	_ =	swait.ge [sflag:s23], $0x2800  }
0x78: {  	[sflag:s23] =	ssyncset.done $0x0  }
0x79: {  	[sflag:s23] =	ssyncadd.s32 $0xFFFFD800  }
0x7a: {  	[spmem:s2] =	stream.indirect.scatter.add.f32 [tilespmem:s21], [sflag:$0x3], $0x80, s26, s18, $0xb8;
	[tilespmem:$0x1F780] =	vst v63  }
0x7b: {  	_ =	swait.ge [sflag:s17], $0x2800  }
0x7c: {  	[sflag:s17] =	ssyncset.done $0x0  }
0x7d: {  	[sflag:s17] =	ssyncadd.s32 $0xFFFFD800  }
0x7e: {  	_ =	swait.ge [sflag:s22], $0x2800  }
0x7f: {  	[sflag:s22] =	ssyncset.done $0x0  }
0x80: {  	[sflag:s22] =	ssyncadd.s32 $0xFFFFD800  }
0x81: {  	[spmem:s2] =	stream.indirect.scatter.add.f32 [tilespmem:s19], [sflag:$0x3], $0x80, s28, s18, $0xb8;
	[tilespmem:$0x1F780] =	vst v63  }
0x82: {  	s0 =	stileid.u32;
	_ =	swait.ge [sflag:s17], $0x2800  }
0x83: {  	s1 =	sshrl.u32 s7, $0x3;
	s29 =	sadd.s32 $0x1, s29;
	[sflag:s17] =	ssyncset.done $0x0  }
0x84: {  	s0 =	sshll.u32 s0, $0x6;
	p0 =	sne.s32 s29, s9;
	[sflag:s17] =	ssyncadd.s32 $0xFFFFD800  }
.Ltmp2:
0x85: {  	s0 =	sor.u32 $0x1C03, s0;
	[bflag:$0x0] =	sbarrier.arrive $0xFFFF;
	(pc) =	sbr.rel @p0 .LBB2_1-.Ltmp2, $4  }
0x86: {  	[hbm:s8], [sflag:s0] =	dma.local [spmem:s1], $0x2800  }
0x87: {  	_ =	swait.ge [sflag:s17], $0x2800  }
0x88: {  	[sflag:s17] =	ssyncset.done $0x0  }
0x89: {  	[sflag:s17] =	ssyncadd.s32 $0xFFFFD800  }
0x8a: {  	_ =	sfence.sel $0x180000  }
0x8b: {  	[bflag:$0x0] =	sbarrier.arrive $0xFFFF  }
0x8c: {  	_ =	strace $0x9000004A  }
0x8d: {  	s0 =	stileid.u32;
	[bflag:$0x2] =	sbarrier.arrive $0xFFFF  }
0x8e: {  	p0 =	sne.s32 s0, $0x0;
	s0 =	rddreg [dreg:$0x2]  }
0x8f: {  	s0 =	sadd.s32 @!p0 $0x100000, s0  }
0x90: {  	[sflag:s0] =	ssyncadd.tile.s32 @!p0 $0x1;
	_ =	shalt  }
.Lfunc_end2:
_tile_overlayer_lowered:
.L_overlay_start_2:
0x91: {  	(tag) =	ssettag $0x2  }
0x92: {  	s0 =	rddreg [dreg:$0x0];
	s2 =	stileid.u32  }
0x93: {  	s1 =	rddreg [dreg:$0x1];
	p0 =	sne.s32 s2, $0x0  }
0x94: {  	s3 =	rddreg [dreg:$0x2];
	[bflag:$0x3] =	sbarrier.arrive $0xFFFF;
	s2 =	simm.s32 @!p0 $0x1C03  }
0x95: {  	[timem:s3], [sflag:s2] =	dma.local @!p0 [hbm:s0], s1  }
0x96: {  	s0 =	simm.s32 @!p0 $0x3  }
0x97: {  	_ =	swait.ge @!p0 [sflag:s0], s1  }
0x98: {  	s1 =	ssub.s32 @!p0 $0x0, s1;
	[sflag:s0] =	ssyncset.done @!p0 $0x0  }
0x99: {  	[sflag:s0] =	ssyncadd.s32 @!p0 s1  }
0x9a: {  	[bflag:$0x3] =	sbarrier.arrive $0xFFFF  }
0x9b: {  	_ =	shalt  }

// kernel: kernel.14.cloned.1.call-start
scs
__scs_entry_jumppad:
0x0: {  	(pc) =	sbr.rel $0x88, $3  }
0x1: {  	(tag) =	ssettag $0x0;
	lr =	simm.s32 $0x1  }
0x2: {  	[smem:$0x3F9B] =	sst lr;
	_ =	strace $0xD0000000  }
0x3: {  	_ = 	snop  }
0x4: {  	_ = 	snop  }
0x5: {  	_ = 	snop  }
0x6: {  	_ = 	snop  }
0x7: {  	_ = 	snop  }
__scs_overlays_trampoline_lowered:
0x8: {  	[smem:$0x3FAA] =	sst s0  }
0x9: {  	[smem:$0x3FAB] =	sst s1  }
0xa: {  	[smem:$0x3FAC] =	sst s2  }
0xb: {  	[smem:$0x3FAD] =	sst s3  }
0xc: {  	[smem:$0x3FAE] =	sst s4  }
0xd: {  	[smem:$0x3FAF] =	sst s5  }
0xe: {  	[smem:$0x3FB0] =	sst s6  }
0xf: {  	[smem:$0x3FB1] =	sst s7  }
0x10: {  	[smem:$0x3FB2] =	sst s8  }
0x11: {  	[smem:$0x3FB3] =	sst s9;
	s0 =	simm.s32 @!p0 $0x0  }
0x12: {  	s1 =	sld [smem:$0x3F99];
	s0 =	simm.s32 @p0 $0x1  }
0x13: {  	[smem:$0x3FB4] =	sst s0;
	s0 =	simm.s32 @!p1 $0x0  }
0x14: {  	s2 =	sld [smem:$0x3F98];
	s0 =	simm.s32 @p1 $0x1  }
0x15: {  	[smem:$0x3FB5] =	sst s0;
	s0 =	simm.s32 @!p2 $0x0  }
0x16: {  	s3 =	sld [smem:$0x3FDB];
	s0 =	simm.s32 @p2 $0x1  }
0x17: {  	s4 =	simm.s32 $0x1BF5;
	[smem:$0x3FB7] =	sst s0  }
0x18: {  	s0 =	sld [smem:$0x3F9A];
	_ =	swait.ge [sflag:s4], $0x0  }
0x19: {  	s7 =	sld [smem:$0x3F9B]  }
0x1a: {  	s8 =	sadd.s32 $0xFFFFE003, lr  }
0x1b: {  	s9 =	sadd.s32 $0xFFFFFEF7, lr;
	s5 =	simm.s32 $0xFFFFFFFF;
	p2 =	slt.u32 s8, $0xFFFFF086  }
0x1c: {  	p1 =	slt.u32 s9, $0xF7A;
	s5 =	simm.s32 @!p2 $0x0  }
0x1d: {  	s5 =	simm.s32 @p1 $0x1;
	p0 =	seq.s32 s7, s2  }
0x1e: {  	s7 =	smul.u32 @!p0 $0xF7A, s2;
	p2 =	seq.s32 @!p0 s5, $0x0  }
0x1f: {  	s9 =	smul.u32 $0xF7A, s1;
	s8 =	simm.s32 @!p0 $0x1BF5;
	p2 =	por !p2, p0  }
0x20: {  	[sflag:s8] =	ssyncset.s32 @!p0 $0xFFFFF086;
	s6 =	sadd.s32 @!p0 s3, s7;
	s7 =	simm.s32 @!p0 $0x108  }
0x21: {  	s3 =	sadd.s32 s3, s9;
	s6 =	sadd.s32 @!p0 $0x88, s6;
	s7 =	simm.s32 @p2 $0x1082  }
0x22: {  	[simem:s7], [sflag:s8] =	dma.local @!p0 [hbm:s6], $0xF7A  }
0x23: {  	s9 =	sor.u32 $0xD0000000, s2;
	s6 =	simm.s32 $0x108;
	_ =	swait.ge @!p0 [sflag:s8], $0x0  }
0x24: {  	s3 =	sadd.s32 $0x88, s3;
	s6 =	simm.s32 @!p1 $0x1082;
	[sflag:s4] =	ssyncset.s32 $0xFFFFF086  }
0x25: {  	[simem:s6], [sflag:s4] =	dma.local [hbm:s3], $0xF7A  }
0x26: {  	[smem:$0x3F9B] =	sst s1;
	(tag) =	ssettag s2;
	_ =	strace s9  }
0x27: {  	s1 =	sld [smem:$0x3FAB]  }
0x28: {  	s2 =	sld [smem:$0x3FAC]  }
0x29: {  	s4 =	sld [smem:$0x3FAE]  }
0x2a: {  	p0 =	seq.s32 s5, $0x0;
	s5 =	sld [smem:$0x3FAF]  }
0x2b: {  	s6 =	sld [smem:$0x3FB0]  }
0x2c: {  	s7 =	sld [smem:$0x3FB1]  }
0x2d: {  	s3 =	simm.s32 $0x108;
	s8 =	sld [smem:$0x3FB2]  }
0x2e: {  	s3 =	simm.s32 @!p0 $0x1082;
	s9 =	sld [smem:$0x3FB3]  }
0x2f: {  	lr =	sadd.s32 s0, s3;
	s0 =	sld [smem:$0x3FAA]  }
0x30: {  	s3 =	sld [smem:$0x3FAD]  }
0x31: {  	[smem:$0x3FB6] =	sst s10  }
0x32: {  	s10 =	sld [smem:$0x3FB4];
	_ =	sdelay $0x3  }
0x33: {  	p0 =	seq.s32 s10, $0x1;
	s10 =	sld [smem:$0x3FB6];
	_ =	sdelay $0x3  }
0x34: {  	[smem:$0x3FB6] =	sst s10  }
0x35: {  	s10 =	sld [smem:$0x3FB5];
	_ =	sdelay $0x3  }
0x36: {  	p1 =	seq.s32 s10, $0x1;
	s10 =	sld [smem:$0x3FB6];
	_ =	sdelay $0x3  }
0x37: {  	[smem:$0x3FB6] =	sst s10  }
0x38: {  	s10 =	sld [smem:$0x3FB7]  }
0x39: {  	_ = 	snop;
	(pc) =	sbr.ind lr, $3  }
0x3a: {  	_ = 	snop  }
0x3b: {  	_ = 	snop  }
0x3c: {  	p2 =	seq.s32 s10, $0x1;
	s10 =	sld [smem:$0x3FB6]  }
0x3d: {  	_ =	shalt  }
0x3e: {  	_ =	shalt  }
0x3f: {  	_ =	shalt  }
0x40: {  	_ =	shalt  }
0x41: {  	_ =	shalt  }
0x42: {  	_ =	shalt  }
0x43: {  	_ =	shalt  }
0x44: {  	_ =	shalt  }
0x45: {  	_ =	shalt  }
0x46: {  	_ =	shalt  }
0x47: {  	_ =	shalt  }
0x48: {  	_ =	shalt  }
0x49: {  	_ =	shalt  }
0x4a: {  	_ =	shalt  }
0x4b: {  	_ =	shalt  }
0x4c: {  	_ =	shalt  }
0x4d: {  	_ =	shalt  }
0x4e: {  	_ =	shalt  }
0x4f: {  	_ =	shalt  }
0x50: {  	_ =	shalt  }
0x51: {  	_ =	shalt  }
0x52: {  	_ =	shalt  }
0x53: {  	_ =	shalt  }
0x54: {  	_ =	shalt  }
0x55: {  	_ =	shalt  }
0x56: {  	_ =	shalt  }
0x57: {  	_ =	shalt  }
0x58: {  	_ =	shalt  }
0x59: {  	_ =	shalt  }
0x5a: {  	_ =	shalt  }
0x5b: {  	_ =	shalt  }
0x5c: {  	_ =	shalt  }
0x5d: {  	_ =	shalt  }
0x5e: {  	_ =	shalt  }
0x5f: {  	_ =	shalt  }
0x60: {  	_ =	shalt  }
0x61: {  	_ =	shalt  }
0x62: {  	_ =	shalt  }
0x63: {  	_ =	shalt  }
0x64: {  	_ =	shalt  }
0x65: {  	_ =	shalt  }
0x66: {  	_ =	shalt  }
0x67: {  	_ =	shalt  }
0x68: {  	_ =	shalt  }
0x69: {  	_ =	shalt  }
0x6a: {  	_ =	shalt  }
0x6b: {  	_ =	shalt  }
0x6c: {  	_ =	shalt  }
0x6d: {  	_ =	shalt  }
0x6e: {  	_ =	shalt  }
0x6f: {  	_ =	shalt  }
0x70: {  	_ =	shalt  }
0x71: {  	_ =	shalt  }
0x72: {  	_ =	shalt  }
0x73: {  	_ =	shalt  }
0x74: {  	_ =	shalt  }
0x75: {  	_ =	shalt  }
0x76: {  	_ =	shalt  }
0x77: {  	_ =	shalt  }
0x78: {  	_ =	shalt  }
0x79: {  	_ =	shalt  }
0x7a: {  	_ =	shalt  }
0x7b: {  	_ =	shalt  }
0x7c: {  	_ =	shalt  }
0x7d: {  	_ =	shalt  }
0x7e: {  	_ =	shalt  }
0x7f: {  	_ =	shalt  }
0x80: {  	_ =	shalt  }
0x81: {  	_ =	shalt  }
0x82: {  	_ =	shalt  }
0x83: {  	_ =	shalt  }
0x84: {  	_ =	shalt  }
0x85: {  	_ =	shalt  }
0x86: {  	_ =	shalt  }
0x87: {  	_ =	shalt  }
.Lfunc_end0:
.L_simem_size_0:
called_computation.2_lowered:
.L_overlay_start_0:
0x88: {  	s2 =	sld [smem:$0x3FD9]  }
0x89: {  	s3 =	sld [smem:$0x3FFE];
	_ =	sdelay $0x1  }
0x8a: {  	s1 =	srdreg.scid  }
0x8b: {  	s0 =	sand.u32 $0x1, s1  }
0x8c: {  	s17 =	sshll.u32 s0, $0xA;
	s2 =	sadd.s32 s3, s2  }
0x8d: {  	s2 =	sadd.s32 s2, s17  }
0x8e: {  	[smem:$0x3FC2] =	sst s2  }
0x8f: {  	_ = 	snop  }
0x90: {  	s2 =	sld [smem:$0x3FD0];
	(tm) =	ssettm $0x1  }
0x91: {  	s18 =	sld [smem:$0x3FFB];
	_ =	sdelay $0x3  }
0x92: {  	_ =	strace s18  }
0x93: {  	s3 =	sld [smem:$0x3FFC];
	_ =	sdelay $0x3  }
0x94: {  	_ =	strace s3  }
0x95: {  	s3 =	sld [smem:$0x3FFD];
	_ =	sdelay $0x3  }
0x96: {  	_ =	strace s3  }
0x97: {  	_ =	strace $0x8FFFFFFF  }
0x98: {  	s19 =	sld [smem:$0x3FDB];
	_ =	sdelay $0x1  }
0x99: {  	s4 =	simm.s32 $_scs_section_size  }
0x9a: {  	s5 =	simm.s32 $_size__tile_overlayer_lowered;
	s6 =	simm.s32 $_tile_overlayer_lowered  }
0x9b: {  	s22 =	simm.s32 $0x1BFF;
	s21 =	sshll.u32 s6, $0x1;
	s3 =	sadd.s32 s4, s19  }
0x9c: {  	s7 =	simm.s32 $0x0;
	s20 =	sshll.u32 s5, $0x1;
	s5 =	sadd.s32 s21, s3  }
0x9d: {  	[timem:s7], [sflag:s22] =	dma.local [hbm:s5], s20  }
0x9e: {  	_ =	swait.ge [sflag:s22], s20  }
0x9f: {  	s4 =	ssub.s32 $0x0, s20;
	[sflag:s22] =	ssyncset.done $0x0  }
0xa0: {  	[sflag:s22] =	ssyncadd.s32 s4;
	_ =	sdelay $0x1  }
0xa1: {  	s23 =	simm.s32 $0x1B8B  }
0xa2: {  	_ =	swait.ge [sflag:s23], $0x1  }
0xa3: {  	[sflag:s23] =	ssyncset.done $0x0  }
0xa4: {  	s25 =	simm.s32 $0x1B8E;
	s24 =	sld [smem:$0x3FFE];
	[sflag:s23] =	ssyncadd.s32 $0xFFFFFFFF  }
0xa5: {  	s26 =	simm.s32 $execute0_lowered;
	[smem:$0x3FD2] =	sst s25  }
0xa6: {  	s5 =	sshll.u32 s26, $0x1;
	_ =	strace $0x8000004C;
	[dreg:$0x1] =	wrdreg $0xFFFFFFFF  }
0xa7: {  	s28 =	simm.s32 $_size_execute0_lowered;
	s3 =	sadd.s32 s3, s5;
	[dreg:$0x0] =	wrdreg $0x0  }
0xa8: {  	s5 =	sshll.u32 s28, $0x1;
	[dreg:$0x2] =	wrdreg s3  }
0xa9: {  	[dreg:$0x3] =	wrdreg s5  }
0xaa: {  	[dreg:$0x4] =	wrdreg $0xC0  }
0xab: {  	_ =	task [dreg:s7], $0x5FFFF  }
0xac: {  	[dreg:$0x1] =	wrdreg $0xFFFFFFFF  }
0xad: {  	[dreg:$0x0] =	wrdreg $0x60  }
0xae: {  	[dreg:$0x2] =	wrdreg s2  }
0xaf: {  	[dreg:$0x3] =	wrdreg s24  }
0xb0: {  	[dreg:$0x4] =	wrdreg $0xD2000  }
0xb1: {  	[dreg:$0x5] =	wrdreg $0x9  }
0xb2: {  	_ =	task.clear_ibuf [dreg:s7], $0x6FFFF;
	_ =	strace $0x9000004C  }
0xb3: {  	s29 =	simm.s32 $0x9;
	_ =	strace $0x8000004E  }
0xb4: {  	_ =	swait.ge [sflag:s29], $0x1  }
0xb5: {  	[sflag:s29] =	ssyncadd.s32 $0xFFFFFFFF  }
0xb6: {  	_ =	strace $0x9000004E  }
0xb7: {  	_ =	sfence  }
0xb8: {  	s30 =	sld [smem:$0x0];
	_ =	sdelay $0x2  }
0xb9: {  	s31 =	sshll.u32 s1, $0xD;
	s1 =	sshrl.u32 s1, $0x2  }
0xba: {  	s3 =	sand.u32 $0x4000, s31;
	s1 =	sadd.s32 s1, s30  }
0xbb: {  	s0 =	sor.u32 s3, s0;
	s1 =	sshll.u32 s1, $0x11  }
0xbc: {  	s0 =	sor.u32 s1, s0  }
0xbd: {  	s0 =	sadd.s32 $0x8F2B, s0  }
0xbe: {  	[sflag:s0] =	ssyncadd.remote.s32 $0x1  }
0xbf: {  	_ =	sfence.sel $0xFFFF  }
0xc0: {  	[dreg:$0x0] =	wrdreg $0xFFFFFFFF;
	(pc) =	sbr.abs _section_cstart, $3  }
0xc1: {  	[dreg:$0x1] =	wrdreg $0xFFFFFFFF  }
0xc2: {  	_ =	task.clear_ibuf [dreg:s7], $0x2FFFF;
	_ =	strace $0x9FFFFFFF  }
0xc3: {  	(tm) =	ssettm $0x7FFFFFFF  }
tec
execute0_lowered:
.L_overlay_start_1:
0x0: {  	(tag) =	ssettag $0x1  }
0x1: {  	s1 =	rddreg [dreg:$0x0]  }
0x2: {  	s0 =	srdreg.scid;
	s6 =	rddreg [dreg:$0x1]  }
0x3: {  	s3 =	rddreg [dreg:$0x2];
	s4 =	simm.s32 $0x0;
	s12 =	simm.s32 $0x4F80  }
0x4: {  	s13 =	simm.s32 $0xCF80;
	s14 =	simm.s32 $0x50;
	s17 =	simm.s32 $0x20  }
0x5: {  	s18 =	simm.s32 $0x10;
	s19 =	simm.s32 $0x0;
	s5 =	sand.u32 $0x1, s0  }
0x6: {  	s0 =	stileid.u32;
	[smem:$0x7FF] =	sst s4;
	s2 =	sshll.u32 s5, $0x4  }
0x7: {  	s9 =	smul.u32 $0x500, s0;
	s10 =	sshll.u32 s5, $0x7;
	s5 =	ssub.s32 $0x2, s5  }
0x8: {  	s29 =	smul.u32 $0xA00, s0;
	s15 =	sshll.u32 s0, $0x6;
	s7 =	sor.u32 s0, s2  }
0x9: {  	s2 =	rddreg [dreg:$0x3];
	_ =	strace $0x8000004D;
	s30 =	sshrl.u32 s5, $0x1  }
0xa: {  	s15 =	sor.u32 $0x1C01, s15;
	s8 =	smul.u32 $0x4E2, s7;
	s7 =	sshll.u32 s7, $0xB  }
0xb: {  	s9 =	sor.u32 s10, s9;
	s11 =	ssub.s32 s5, s30;
	s31 =	sshrl.u32 s29, $0x2  }
0xc: {  	s10 =	simm.s32 $0x1;
	s9 =	sshrl.u32 s9, $0x3;
	s7 =	sadd.s32 s7, s6  }
0xd: {  	s8 =	sadd.s32 s8, s6;
	s9 =	sadd.s32 s9, s6;
	s6 =	sadd.s32 $0xC600, s7  }
0xe: {  	s7 =	sadd.s32 s31, s3;
	s5 =	sadd.s32 $0x2800, s8;
	s8 =	sadd.s32 $0x1C600, s9  }
0xf: {  	v0 =	vimm.f32 $0.0e+00;
	s9 =	smax.u32 s11, $0x1;
	s11 =	simm.s32 $0x2800;
	s16 =	sshrl.u32 s7, $0x3  }
.LBB2_1:
0x10: {  	[tilespmem:s4], [sflag:$0x1] =	stream.linear.gather [hbm4b:s1+s4], $0x2800, $0x38;
	[tilespmem:$0xD480] =	vst v63  }
0x11: {  	_ =	swait.ge [sflag:s10], $0x2800  }
0x12: {  	[sflag:s10] =	ssyncset.done $0x0  }
0x13: {  	[sflag:s10] =	ssyncadd.s32 $0xFFFFD800  }
0x14: {  	[tilespmem:s11], [sflag:$0x1] =	stream.linear.gather [hbm4b:s5+s4], $0x2710, $0x38;
	[tilespmem:$0xD480] =	vst v63  }
0x15: {  	_ =	swait.ge [sflag:s10], $0x2710  }
0x16: {  	[sflag:s10] =	ssyncset.done $0x0  }
0x17: {  	[sflag:s10] =	ssyncadd.s32 $0xFFFFD8F0  }
0x18: {  	[tilespmem:s12], [sflag:$0x1] =	stream.linear.gather [hbm4b:s6+s4], $0x3E80, $0x38;
	[tilespmem:$0xD480] =	vst v63  }
0x19: {  	_ =	swait.ge [sflag:s10], $0x3E80  }
0x1a: {  	[sflag:s10] =	ssyncset.done $0x0  }
0x1b: {  	[sflag:s10] =	ssyncadd.s32 $0xFFFFC180  }
0x1c: {  	[tilespmem:$0xCF80] =	vst v0  }
0x1d: {  	[tilespmem:$0xCF90] =	vst v0  }
0x1e: {  	[tilespmem:$0xCFA0] =	vst v0  }
0x1f: {  	[tilespmem:$0xCFB0] =	vst v0  }
0x20: {  	[tilespmem:$0xCFC0] =	vst v0  }
0x21: {  	[tilespmem:$0xCFD0] =	vst v0  }
0x22: {  	[tilespmem:$0xCFE0] =	vst v0  }
0x23: {  	[tilespmem:$0xCFF0] =	vst v0  }
0x24: {  	[tilespmem:$0xD000] =	vst v0  }
0x25: {  	[tilespmem:$0xD010] =	vst v0  }
0x26: {  	[tilespmem:$0xD020] =	vst v0  }
0x27: {  	[tilespmem:$0xD030] =	vst v0  }
0x28: {  	[tilespmem:$0xD040] =	vst v0  }
0x29: {  	[tilespmem:$0xD050] =	vst v0  }
0x2a: {  	[tilespmem:$0xD060] =	vst v0  }
0x2b: {  	[tilespmem:$0xD070] =	vst v0  }
0x2c: {  	[tilespmem:$0xD080] =	vst v0  }
0x2d: {  	[tilespmem:$0xD090] =	vst v0  }
0x2e: {  	[tilespmem:$0xD0A0] =	vst v0  }
0x2f: {  	[tilespmem:$0xD0B0] =	vst v0  }
0x30: {  	[tilespmem:$0xD0C0] =	vst v0  }
0x31: {  	[tilespmem:$0xD0D0] =	vst v0  }
0x32: {  	[tilespmem:$0xD0E0] =	vst v0  }
0x33: {  	[tilespmem:$0xD0F0] =	vst v0  }
0x34: {  	[tilespmem:$0xD100] =	vst v0  }
0x35: {  	[tilespmem:$0xD110] =	vst v0  }
0x36: {  	[tilespmem:$0xD120] =	vst v0  }
0x37: {  	[tilespmem:$0xD130] =	vst v0  }
0x38: {  	[tilespmem:$0xD140] =	vst v0  }
0x39: {  	[tilespmem:$0xD150] =	vst v0  }
0x3a: {  	[tilespmem:$0xD160] =	vst v0  }
0x3b: {  	[tilespmem:$0xD170] =	vst v0  }
0x3c: {  	[tilespmem:$0xD180] =	vst v0  }
0x3d: {  	[tilespmem:$0xD190] =	vst v0  }
0x3e: {  	[tilespmem:$0xD1A0] =	vst v0  }
0x3f: {  	[tilespmem:$0xD1B0] =	vst v0  }
0x40: {  	[tilespmem:$0xD1C0] =	vst v0  }
0x41: {  	[tilespmem:$0xD1D0] =	vst v0  }
0x42: {  	[tilespmem:$0xD1E0] =	vst v0  }
0x43: {  	[tilespmem:$0xD1F0] =	vst v0  }
0x44: {  	[spmem:s7] =	stream.linear.scatter [tilespmem:s13], [sflag:$0x1], $0x280, $0x38;
	[tilespmem:$0xD480] =	vst v63  }
0x45: {  	_ =	swait.ge [sflag:s10], $0x280  }
0x46: {  	[sflag:s10] =	ssyncset.done $0x0  }
0x47: {  	[sflag:s10] =	ssyncadd.s32 $0xFFFFFD80  }
0x48: {  	s20 =	simm.s32 $0x2820;
	s21 =	simm.s32 $0x0;
	[bflag:$0x0] =	sbarrier.arrive $0xFFFF  }
.LBB2_2:
0x49: {  	v1 =	vld [tilespmem:s20+$0xFFFFFFE0];
	_ =	sdelay $0x7  }
0x4a: {  	v1 =	vld.idx.msk [tilespmem:v1+s4+$0x0], $0xffff;
	_ =	sdelay $0x3  }
0x4b: {  	s22 =	sshra.s32 s21, $0x2  }
0x4c: {  	[tilespmem:s22+$0x8F80] =	vst v1  }
0x4d: {  	v1 =	vld [tilespmem:s20+$0xFFFFFFF0];
	_ =	sdelay $0x7  }
0x4e: {  	v1 =	vld.idx.msk [tilespmem:v1+s4+$0x0], $0xffff;
	_ =	sdelay $0x4  }
0x4f: {  	[tilespmem:s22+$0x8F90] =	vst v1  }
0x50: {  	v1 =	vld [tilespmem:s20+$0x0];
	_ =	sdelay $0x7  }
0x51: {  	v1 =	vld.idx.msk [tilespmem:v1+s4+$0x0], $0xffff;
	_ =	sdelay $0x4  }
0x52: {  	[tilespmem:s22+$0x8FA0] =	vst v1  }
0x53: {  	v1 =	vld [tilespmem:s20+$0x10];
	_ =	sdelay $0x7  }
0x54: {  	v1 =	vld.idx.msk [tilespmem:v1+s4+$0x0], $0xffff;
	_ =	sdelay $0x4  }
0x55: {  	[tilespmem:s22+$0x8FB0] =	vst v1  }
0x56: {  	v1 =	vld [tilespmem:s20+$0x20];
	_ =	sdelay $0x7  }
0x57: {  	v1 =	vld.idx.msk [tilespmem:v1+s4+$0x0], $0xffff;
	_ =	sdelay $0x3  }
0x58: {  	p0 =	sne.s32 s21, $0xF800  }
.Ltmp0:
0x59: {  	s23 =	sadd.s32 $0x8F80, s22;
	[tilespmem:s22+$0x8FC0] =	vst v1;
	s22 =	sadd.s32 $0x4F80, s22;
	(pc) =	sbr.rel @p0 .LBB2_2-.Ltmp0, $4  }
0x5a: {  	[spmem:s3] =	stream.indirect.scatter.add.f32 [tilespmem:s23], [sflag:$0x1], $0x1, s22, s14, $0xb8;
	[tilespmem:$0xD480] =	vst v63  }
0x5b: {  	_ =	swait.ge [sflag:s10], $0x50  }
0x5c: {  	[sflag:s10] =	ssyncset.done $0x0  }
0x5d: {  	s21 =	sadd.s32 $0x200, s21;
	s20 =	sadd.s32 $0x50, s20;
	[sflag:s10] =	ssyncadd.s32 $0xFFFFFFB0  }
0x5e: {  	s19 =	sadd.s32 $0x1, s19  }
0x5f: {  	p0 =	sne.s32 s19, s9  }
.Ltmp1:
0x60: {  	[bflag:$0x0] =	sbarrier.arrive $0xFFFF;
	(pc) =	sbr.rel @p0 .LBB2_1-.Ltmp1, $4  }
0x61: {  	[hbm:s8@s17], [sflag:s15] =	dma.strided [spmem:s16@s18], $0x50, s10, $0x10   }
0x62: {  	_ =	swait.ge [sflag:s10], $0x50  }
0x63: {  	[sflag:s10] =	ssyncset.done $0x0  }
0x64: {  	[sflag:s10] =	ssyncadd.s32 $0xFFFFFFB0  }
0x65: {  	_ =	sfence.sel $0x180000  }
0x66: {  	[bflag:$0x0] =	sbarrier.arrive $0xFFFF  }
0x67: {  	p0 =	sne.s32 s0, $0x0;
	_ =	strace $0x9000004D  }
0x68: {  	s0 =	sadd.s32 @!p0 $0x100000, s2;
	[bflag:$0x2] =	sbarrier.arrive $0xFFFF  }
0x69: {  	[sflag:s0] =	ssyncadd.tile.s32 @!p0 $0x1;
	_ =	shalt  }
.Lfunc_end2:
_tile_overlayer_lowered:
.L_overlay_start_2:
0x6a: {  	(tag) =	ssettag $0x2  }
0x6b: {  	s0 =	rddreg [dreg:$0x0];
	s2 =	stileid.u32  }
0x6c: {  	s1 =	rddreg [dreg:$0x1];
	p0 =	sne.s32 s2, $0x0  }
0x6d: {  	s3 =	rddreg [dreg:$0x2];
	[bflag:$0x3] =	sbarrier.arrive $0xFFFF;
	s2 =	simm.s32 @!p0 $0x1C01  }
0x6e: {  	[timem:s3], [sflag:s2] =	dma.local @!p0 [hbm:s0], s1  }
0x6f: {  	s0 =	simm.s32 @!p0 $0x1  }
0x70: {  	_ =	swait.ge @!p0 [sflag:s0], s1  }
0x71: {  	s1 =	ssub.s32 @!p0 $0x0, s1;
	[sflag:s0] =	ssyncset.done @!p0 $0x0  }
0x72: {  	[sflag:s0] =	ssyncadd.s32 @!p0 s1  }
0x73: {  	[bflag:$0x3] =	sbarrier.arrive $0xFFFF  }
0x74: {  	_ =	shalt  }

// kernel: kernel.8.cloned.1.call-start
scs
__scs_entry_jumppad:
0x0: {  	(pc) =	sbr.rel $0x88, $3  }
0x1: {  	(tag) =	ssettag $0x0;
	lr =	simm.s32 $0x1  }
0x2: {  	[smem:$0x3F9B] =	sst lr;
	_ =	strace $0xD0000000  }
0x3: {  	_ = 	snop  }
0x4: {  	_ = 	snop  }
0x5: {  	_ = 	snop  }
0x6: {  	_ = 	snop  }
0x7: {  	_ = 	snop  }
__scs_overlays_trampoline_lowered:
0x8: {  	[smem:$0x3FAA] =	sst s0  }
0x9: {  	[smem:$0x3FAB] =	sst s1  }
0xa: {  	[smem:$0x3FAC] =	sst s2  }
0xb: {  	[smem:$0x3FAD] =	sst s3  }
0xc: {  	[smem:$0x3FAE] =	sst s4  }
0xd: {  	[smem:$0x3FAF] =	sst s5  }
0xe: {  	[smem:$0x3FB0] =	sst s6  }
0xf: {  	[smem:$0x3FB1] =	sst s7  }
0x10: {  	[smem:$0x3FB2] =	sst s8  }
0x11: {  	[smem:$0x3FB3] =	sst s9;
	s0 =	simm.s32 @!p0 $0x0  }
0x12: {  	s1 =	sld [smem:$0x3F99];
	s0 =	simm.s32 @p0 $0x1  }
0x13: {  	[smem:$0x3FB4] =	sst s0;
	s0 =	simm.s32 @!p1 $0x0  }
0x14: {  	s2 =	sld [smem:$0x3F98];
	s0 =	simm.s32 @p1 $0x1  }
0x15: {  	[smem:$0x3FB5] =	sst s0;
	s0 =	simm.s32 @!p2 $0x0  }
0x16: {  	s3 =	sld [smem:$0x3FDB];
	s0 =	simm.s32 @p2 $0x1  }
0x17: {  	s4 =	simm.s32 $0x1BF5;
	[smem:$0x3FB7] =	sst s0  }
0x18: {  	s0 =	sld [smem:$0x3F9A];
	_ =	swait.ge [sflag:s4], $0x0  }
0x19: {  	s7 =	sld [smem:$0x3F9B]  }
0x1a: {  	s8 =	sadd.s32 $0xFFFFE003, lr  }
0x1b: {  	s9 =	sadd.s32 $0xFFFFFEF7, lr;
	s5 =	simm.s32 $0xFFFFFFFF;
	p2 =	slt.u32 s8, $0xFFFFF086  }
0x1c: {  	p1 =	slt.u32 s9, $0xF7A;
	s5 =	simm.s32 @!p2 $0x0  }
0x1d: {  	s5 =	simm.s32 @p1 $0x1;
	p0 =	seq.s32 s7, s2  }
0x1e: {  	s7 =	smul.u32 @!p0 $0xF7A, s2;
	p2 =	seq.s32 @!p0 s5, $0x0  }
0x1f: {  	s9 =	smul.u32 $0xF7A, s1;
	s8 =	simm.s32 @!p0 $0x1BF5;
	p2 =	por !p2, p0  }
0x20: {  	[sflag:s8] =	ssyncset.s32 @!p0 $0xFFFFF086;
	s6 =	sadd.s32 @!p0 s3, s7;
	s7 =	simm.s32 @!p0 $0x108  }
0x21: {  	s3 =	sadd.s32 s3, s9;
	s6 =	sadd.s32 @!p0 $0x88, s6;
	s7 =	simm.s32 @p2 $0x1082  }
0x22: {  	[simem:s7], [sflag:s8] =	dma.local @!p0 [hbm:s6], $0xF7A  }
0x23: {  	s9 =	sor.u32 $0xD0000000, s2;
	s6 =	simm.s32 $0x108;
	_ =	swait.ge @!p0 [sflag:s8], $0x0  }
0x24: {  	s3 =	sadd.s32 $0x88, s3;
	s6 =	simm.s32 @!p1 $0x1082;
	[sflag:s4] =	ssyncset.s32 $0xFFFFF086  }
0x25: {  	[simem:s6], [sflag:s4] =	dma.local [hbm:s3], $0xF7A  }
0x26: {  	[smem:$0x3F9B] =	sst s1;
	(tag) =	ssettag s2;
	_ =	strace s9  }
0x27: {  	s1 =	sld [smem:$0x3FAB]  }
0x28: {  	s2 =	sld [smem:$0x3FAC]  }
0x29: {  	s4 =	sld [smem:$0x3FAE]  }
0x2a: {  	p0 =	seq.s32 s5, $0x0;
	s5 =	sld [smem:$0x3FAF]  }
0x2b: {  	s6 =	sld [smem:$0x3FB0]  }
0x2c: {  	s7 =	sld [smem:$0x3FB1]  }
0x2d: {  	s3 =	simm.s32 $0x108;
	s8 =	sld [smem:$0x3FB2]  }
0x2e: {  	s3 =	simm.s32 @!p0 $0x1082;
	s9 =	sld [smem:$0x3FB3]  }
0x2f: {  	lr =	sadd.s32 s0, s3;
	s0 =	sld [smem:$0x3FAA]  }
0x30: {  	s3 =	sld [smem:$0x3FAD]  }
0x31: {  	[smem:$0x3FB6] =	sst s10  }
0x32: {  	s10 =	sld [smem:$0x3FB4];
	_ =	sdelay $0x3  }
0x33: {  	p0 =	seq.s32 s10, $0x1;
	s10 =	sld [smem:$0x3FB6];
	_ =	sdelay $0x3  }
0x34: {  	[smem:$0x3FB6] =	sst s10  }
0x35: {  	s10 =	sld [smem:$0x3FB5];
	_ =	sdelay $0x3  }
0x36: {  	p1 =	seq.s32 s10, $0x1;
	s10 =	sld [smem:$0x3FB6];
	_ =	sdelay $0x3  }
0x37: {  	[smem:$0x3FB6] =	sst s10  }
0x38: {  	s10 =	sld [smem:$0x3FB7]  }
0x39: {  	_ = 	snop;
	(pc) =	sbr.ind lr, $3  }
0x3a: {  	_ = 	snop  }
0x3b: {  	_ = 	snop  }
0x3c: {  	p2 =	seq.s32 s10, $0x1;
	s10 =	sld [smem:$0x3FB6]  }
0x3d: {  	_ =	shalt  }
0x3e: {  	_ =	shalt  }
0x3f: {  	_ =	shalt  }
0x40: {  	_ =	shalt  }
0x41: {  	_ =	shalt  }
0x42: {  	_ =	shalt  }
0x43: {  	_ =	shalt  }
0x44: {  	_ =	shalt  }
0x45: {  	_ =	shalt  }
0x46: {  	_ =	shalt  }
0x47: {  	_ =	shalt  }
0x48: {  	_ =	shalt  }
0x49: {  	_ =	shalt  }
0x4a: {  	_ =	shalt  }
0x4b: {  	_ =	shalt  }
0x4c: {  	_ =	shalt  }
0x4d: {  	_ =	shalt  }
0x4e: {  	_ =	shalt  }
0x4f: {  	_ =	shalt  }
0x50: {  	_ =	shalt  }
0x51: {  	_ =	shalt  }
0x52: {  	_ =	shalt  }
0x53: {  	_ =	shalt  }
0x54: {  	_ =	shalt  }
0x55: {  	_ =	shalt  }
0x56: {  	_ =	shalt  }
0x57: {  	_ =	shalt  }
0x58: {  	_ =	shalt  }
0x59: {  	_ =	shalt  }
0x5a: {  	_ =	shalt  }
0x5b: {  	_ =	shalt  }
0x5c: {  	_ =	shalt  }
0x5d: {  	_ =	shalt  }
0x5e: {  	_ =	shalt  }
0x5f: {  	_ =	shalt  }
0x60: {  	_ =	shalt  }
0x61: {  	_ =	shalt  }
0x62: {  	_ =	shalt  }
0x63: {  	_ =	shalt  }
0x64: {  	_ =	shalt  }
0x65: {  	_ =	shalt  }
0x66: {  	_ =	shalt  }
0x67: {  	_ =	shalt  }
0x68: {  	_ =	shalt  }
0x69: {  	_ =	shalt  }
0x6a: {  	_ =	shalt  }
0x6b: {  	_ =	shalt  }
0x6c: {  	_ =	shalt  }
0x6d: {  	_ =	shalt  }
0x6e: {  	_ =	shalt  }
0x6f: {  	_ =	shalt  }
0x70: {  	_ =	shalt  }
0x71: {  	_ =	shalt  }
0x72: {  	_ =	shalt  }
0x73: {  	_ =	shalt  }
0x74: {  	_ =	shalt  }
0x75: {  	_ =	shalt  }
0x76: {  	_ =	shalt  }
0x77: {  	_ =	shalt  }
0x78: {  	_ =	shalt  }
0x79: {  	_ =	shalt  }
0x7a: {  	_ =	shalt  }
0x7b: {  	_ =	shalt  }
0x7c: {  	_ =	shalt  }
0x7d: {  	_ =	shalt  }
0x7e: {  	_ =	shalt  }
0x7f: {  	_ =	shalt  }
0x80: {  	_ =	shalt  }
0x81: {  	_ =	shalt  }
0x82: {  	_ =	shalt  }
0x83: {  	_ =	shalt  }
0x84: {  	_ =	shalt  }
0x85: {  	_ =	shalt  }
0x86: {  	_ =	shalt  }
0x87: {  	_ =	shalt  }
.Lfunc_end0:
.L_simem_size_0:
called_computation_lowered:
.L_overlay_start_0:
0x88: {  	s2 =	sld [smem:$0x3FD9]  }
0x89: {  	s3 =	sld [smem:$0x3FFE];
	_ =	sdelay $0x1  }
0x8a: {  	s1 =	srdreg.scid  }
0x8b: {  	s0 =	sand.u32 $0x1, s1  }
0x8c: {  	s16 =	sshll.u32 s0, $0xA;
	s2 =	sadd.s32 s3, s2  }
0x8d: {  	s2 =	sadd.s32 s2, s16  }
0x8e: {  	[smem:$0x3FC2] =	sst s2  }
0x8f: {  	_ = 	snop  }
0x90: {  	(tm) =	ssettm $0x1  }
0x91: {  	s17 =	sld [smem:$0x3FFB];
	_ =	sdelay $0x3  }
0x92: {  	_ =	strace s17  }
0x93: {  	s2 =	sld [smem:$0x3FFC];
	_ =	sdelay $0x3  }
0x94: {  	_ =	strace s2  }
0x95: {  	s2 =	sld [smem:$0x3FFD];
	_ =	sdelay $0x3  }
0x96: {  	_ =	strace s2  }
0x97: {  	_ =	strace $0x8FFFFFFF  }
0x98: {  	s18 =	sld [smem:$0x3FDB];
	_ =	sdelay $0x1  }
0x99: {  	s19 =	simm.s32 $_scs_section_size  }
0x9a: {  	s4 =	simm.s32 $_size__tile_overlayer_lowered;
	s5 =	simm.s32 $_tile_overlayer_lowered  }
0x9b: {  	s22 =	simm.s32 $0x1BFF;
	s21 =	sshll.u32 s5, $0x1;
	s2 =	sadd.s32 s19, s18  }
0x9c: {  	s6 =	simm.s32 $0x0;
	s20 =	sshll.u32 s4, $0x1;
	s4 =	sadd.s32 s21, s2  }
0x9d: {  	[timem:s6], [sflag:s22] =	dma.local [hbm:s4], s20  }
0x9e: {  	_ =	swait.ge [sflag:s22], s20  }
0x9f: {  	s3 =	ssub.s32 $0x0, s20;
	[sflag:s22] =	ssyncset.done $0x0  }
0xa0: {  	[sflag:s22] =	ssyncadd.s32 s3;
	_ =	sdelay $0x1  }
0xa1: {  	s23 =	simm.s32 $0x1B8B  }
0xa2: {  	_ =	swait.ge [sflag:s23], $0x1  }
0xa3: {  	[sflag:s23] =	ssyncset.done $0x0  }
0xa4: {  	s25 =	simm.s32 $0x1B8E;
	s24 =	sld [smem:$0x3FFE];
	[sflag:s23] =	ssyncadd.s32 $0xFFFFFFFF  }
0xa5: {  	s26 =	simm.s32 $execute0_lowered;
	[smem:$0x3FD2] =	sst s25  }
0xa6: {  	s4 =	sshll.u32 s26, $0x1;
	_ =	strace $0x80000046;
	[dreg:$0x1] =	wrdreg $0xFFFFFFFF  }
0xa7: {  	s28 =	simm.s32 $_size_execute0_lowered;
	s2 =	sadd.s32 s2, s4;
	[dreg:$0x0] =	wrdreg $0x0  }
0xa8: {  	s4 =	sshll.u32 s28, $0x1;
	[dreg:$0x2] =	wrdreg s2  }
0xa9: {  	[dreg:$0x3] =	wrdreg s4  }
0xaa: {  	[dreg:$0x4] =	wrdreg $0xC0  }
0xab: {  	_ =	task [dreg:s6], $0x5FFFF  }
0xac: {  	[dreg:$0x1] =	wrdreg $0xFFFFFFFF  }
0xad: {  	[dreg:$0x0] =	wrdreg $0x60  }
0xae: {  	[dreg:$0x2] =	wrdreg s24  }
0xaf: {  	[dreg:$0x3] =	wrdreg $0x43000  }
0xb0: {  	[dreg:$0x4] =	wrdreg $0x9  }
0xb1: {  	_ =	task.clear_ibuf [dreg:s6], $0x5FFFF;
	_ =	strace $0x90000046  }
0xb2: {  	s29 =	simm.s32 $0x9;
	_ =	strace $0x80000048  }
0xb3: {  	_ =	swait.ge [sflag:s29], $0x1  }
0xb4: {  	[sflag:s29] =	ssyncadd.s32 $0xFFFFFFFF  }
0xb5: {  	_ =	strace $0x90000048  }
0xb6: {  	_ =	sfence  }
0xb7: {  	s30 =	sld [smem:$0x0];
	_ =	sdelay $0x2  }
0xb8: {  	s31 =	sshll.u32 s1, $0xD;
	s1 =	sshrl.u32 s1, $0x2  }
0xb9: {  	s3 =	sand.u32 $0x4000, s31;
	s1 =	sadd.s32 s1, s30  }
0xba: {  	s0 =	sor.u32 s3, s0;
	s1 =	sshll.u32 s1, $0x11  }
0xbb: {  	s0 =	sor.u32 s1, s0  }
0xbc: {  	s0 =	sadd.s32 $0x8F2B, s0  }
0xbd: {  	[sflag:s0] =	ssyncadd.remote.s32 $0x1  }
0xbe: {  	_ =	sfence.sel $0xFFFF  }
0xbf: {  	[dreg:$0x0] =	wrdreg $0xFFFFFFFF;
	(pc) =	sbr.abs _section_cstart, $3  }
0xc0: {  	[dreg:$0x1] =	wrdreg $0xFFFFFFFF  }
0xc1: {  	_ =	task.clear_ibuf [dreg:s6], $0x2FFFF;
	_ =	strace $0x9FFFFFFF  }
0xc2: {  	(tm) =	ssettm $0x7FFFFFFF  }
0xc3: {  	_ =	shalt  }
tec
execute0_lowered:
.L_overlay_start_1:
0x0: {  	(tag) =	ssettag $0x1  }
0x1: {  	s4 =	rddreg [dreg:$0x0]  }
0x2: {  	s2 =	rddreg [dreg:$0x1]  }
0x3: {  	s0 =	rddreg [dreg:$0x2];
	s1 =	stileid.u32  }
0x4: {  	s5 =	srdreg.scid;
	s3 =	simm.s32 $0x0;
	s10 =	simm.s32 $0x50  }
0x5: {  	s11 =	simm.s32 $0x1;
	s14 =	simm.s32 $0x20;
	s15 =	simm.s32 $0x10  }
0x6: {  	s16 =	simm.s32 $0x0;
	s5 =	sand.u32 $0x1, s5;
	s6 =	smul.u32 $0x500, s1  }
0x7: {  	[smem:$0x7FF] =	sst s3;
	s8 =	sshll.u32 s1, $0xB;
	s28 =	smul.u32 $0xA00, s1  }
0x8: {  	s12 =	sshll.u32 s1, $0x6;
	s7 =	sshll.u32 s5, $0x7;
	_ =	strace $0x80000047  }
0x9: {  	s26 =	sadd.s32 s8, s4;
	s29 =	ssub.s32 $0x2, s5;
	s5 =	sshll.u32 s5, $0xF  }
0xa: {  	s8 =	simm.s32 $0x2;
	s12 =	sor.u32 $0x1C02, s12;
	s6 =	sor.u32 s7, s6  }
0xb: {  	s9 =	sshrl.u32 s29, $0x1;
	s5 =	sadd.s32 s5, s26;
	s30 =	sshrl.u32 s28, $0x2  }
0xc: {  	s6 =	sshrl.u32 s6, $0x3;
	s31 =	ssub.s32 s29, s9;
	s9 =	simm.s32 $0x4080  }
0xd: {  	s6 =	sadd.s32 s6, s4;
	s4 =	sadd.s32 $0xC600, s5;
	s5 =	sadd.s32 s30, s2  }
0xe: {  	v0 =	vimm.f32 $0.0e+00;
	v1 =	vimm.f32 $1.000000000e+00;
	s7 =	smax.u32 s31, $0x1;
	s6 =	sadd.s32 $0x1C600, s6;
	s13 =	sshrl.u32 s5, $0x3  }
.LBB2_1:
0xf: {  	s17 =	simm.s32 $0x80  }
0x10: {  	[tilespmem:s17], [sflag:$0x2] =	stream.linear.gather [hbm4b:s4+s3], $0x3E80, $0x38;
	[tilespmem:$0x4580] =	vst v63  }
0x11: {  	_ =	swait.ge [sflag:s8], $0x3E80  }
0x12: {  	[sflag:s8] =	ssyncset.done $0x0  }
0x13: {  	[sflag:s8] =	ssyncadd.s32 $0xFFFFC180  }
0x14: {  	[tilespmem:$0x4080] =	vst v0  }
0x15: {  	[tilespmem:$0x4090] =	vst v0  }
0x16: {  	[tilespmem:$0x40A0] =	vst v0  }
0x17: {  	[tilespmem:$0x40B0] =	vst v0  }
0x18: {  	[tilespmem:$0x40C0] =	vst v0  }
0x19: {  	[tilespmem:$0x40D0] =	vst v0  }
0x1a: {  	[tilespmem:$0x40E0] =	vst v0  }
0x1b: {  	[tilespmem:$0x40F0] =	vst v0  }
0x1c: {  	[tilespmem:$0x4100] =	vst v0  }
0x1d: {  	[tilespmem:$0x4110] =	vst v0  }
0x1e: {  	[tilespmem:$0x4120] =	vst v0  }
0x1f: {  	[tilespmem:$0x4130] =	vst v0  }
0x20: {  	[tilespmem:$0x4140] =	vst v0  }
0x21: {  	[tilespmem:$0x4150] =	vst v0  }
0x22: {  	[tilespmem:$0x4160] =	vst v0  }
0x23: {  	[tilespmem:$0x4170] =	vst v0  }
0x24: {  	[tilespmem:$0x4180] =	vst v0  }
0x25: {  	[tilespmem:$0x4190] =	vst v0  }
0x26: {  	[tilespmem:$0x41A0] =	vst v0  }
0x27: {  	[tilespmem:$0x41B0] =	vst v0  }
0x28: {  	[tilespmem:$0x41C0] =	vst v0  }
0x29: {  	[tilespmem:$0x41D0] =	vst v0  }
0x2a: {  	[tilespmem:$0x41E0] =	vst v0  }
0x2b: {  	[tilespmem:$0x41F0] =	vst v0  }
0x2c: {  	[tilespmem:$0x4200] =	vst v0  }
0x2d: {  	[tilespmem:$0x4210] =	vst v0  }
0x2e: {  	[tilespmem:$0x4220] =	vst v0  }
0x2f: {  	[tilespmem:$0x4230] =	vst v0  }
0x30: {  	[tilespmem:$0x4240] =	vst v0  }
0x31: {  	[tilespmem:$0x4250] =	vst v0  }
0x32: {  	[tilespmem:$0x4260] =	vst v0  }
0x33: {  	[tilespmem:$0x4270] =	vst v0  }
0x34: {  	[tilespmem:$0x4280] =	vst v0  }
0x35: {  	[tilespmem:$0x4290] =	vst v0  }
0x36: {  	[tilespmem:$0x42A0] =	vst v0  }
0x37: {  	[tilespmem:$0x42B0] =	vst v0  }
0x38: {  	[tilespmem:$0x42C0] =	vst v0  }
0x39: {  	[tilespmem:$0x42D0] =	vst v0  }
0x3a: {  	[tilespmem:$0x42E0] =	vst v0  }
0x3b: {  	[tilespmem:$0x42F0] =	vst v0  }
0x3c: {  	[tilespmem:$0x0] =	vst v1  }
0x3d: {  	[tilespmem:$0x10] =	vst v1  }
0x3e: {  	[tilespmem:$0x20] =	vst v1  }
0x3f: {  	[tilespmem:$0x30] =	vst v1  }
0x40: {  	[tilespmem:$0x40] =	vst v1  }
0x41: {  	[spmem:s5] =	stream.linear.scatter [tilespmem:s9], [sflag:$0x2], $0x280, $0x38;
	[tilespmem:$0x4580] =	vst v63  }
0x42: {  	_ =	swait.ge [sflag:s8], $0x280  }
0x43: {  	[sflag:s8] =	ssyncset.done $0x0  }
0x44: {  	p0 =	por $0x1, $0x1;
	[sflag:s8] =	ssyncadd.s32 $0xFFFFFD80  }
0x45: {  	s19 =	simm.s32 @!p0 $0x1;
	[bflag:$0x0] =	sbarrier.arrive $0xFFFF  }
0x46: {  	[spmem:s2] =	stream.indirect.scatter.add.f32 [tilespmem:s3], [sflag:$0x1], $0x1, s17, s10, $0xb8;
	[tilespmem:$0x4580] =	vst v63  }
0x47: {  	_ =	swait.ge @!p0 [sflag:s19], $0x50  }
0x48: {  	s18 =	simm.s32 $0x1;
	[sflag:s19] =	ssyncset.done @!p0 $0x0  }
.LBB2_2:
0x49: {  	[sflag:s19] =	ssyncadd.s32 @!p0 $0xFFFFFFB0  }
0x4a: {  	s17 =	sadd.s32 $0x80, s17;
	s19 =	smov.u32 s18;
	s18 =	sadd.s32 $0x1, s18  }
0x4b: {  	p1 =	sne.s32 s18, $0x7D  }
0x4c: {  	[spmem:s2] =	stream.indirect.scatter.add.f32 [tilespmem:s3], [sflag:$0x1], $0x1, s17, s10, $0xb8;
	[tilespmem:$0x4580] =	vst v63  }
.Ltmp0:
0x4d: {  	_ = 	snop;
	(pc) =	sbr.rel @p1 .LBB2_2-.Ltmp0, $4  }
0x4e: {  	p0 =	slt.u32 s19, $0x8  }
0x4f: {  	s19 =	simm.s32 @!p0 $0x1  }
0x50: {  	_ =	swait.ge @!p0 [sflag:s19], $0x50  }
0x51: {  	[sflag:s19] =	ssyncset.done @!p0 $0x0  }
0x52: {  	[sflag:s19] =	ssyncadd.s32 @!p0 $0xFFFFFFB0  }
0x53: {  	_ =	swait.ge [sflag:s11], $0x50  }
0x54: {  	[sflag:s11] =	ssyncset.done $0x0  }
0x55: {  	[sflag:s11] =	ssyncadd.s32 $0xFFFFFFB0  }
0x56: {  	_ =	swait.ge [sflag:s11], $0x50  }
0x57: {  	[sflag:s11] =	ssyncset.done $0x0  }
0x58: {  	[sflag:s11] =	ssyncadd.s32 $0xFFFFFFB0  }
0x59: {  	_ =	swait.ge [sflag:s11], $0x50  }
0x5a: {  	[sflag:s11] =	ssyncset.done $0x0  }
0x5b: {  	[sflag:s11] =	ssyncadd.s32 $0xFFFFFFB0  }
0x5c: {  	_ =	swait.ge [sflag:s11], $0x50  }
0x5d: {  	[sflag:s11] =	ssyncset.done $0x0  }
0x5e: {  	[sflag:s11] =	ssyncadd.s32 $0xFFFFFFB0  }
0x5f: {  	_ =	swait.ge [sflag:s11], $0x50  }
0x60: {  	[sflag:s11] =	ssyncset.done $0x0  }
0x61: {  	[sflag:s11] =	ssyncadd.s32 $0xFFFFFFB0  }
0x62: {  	_ =	swait.ge [sflag:s11], $0x50  }
0x63: {  	[sflag:s11] =	ssyncset.done $0x0  }
0x64: {  	[sflag:s11] =	ssyncadd.s32 $0xFFFFFFB0  }
0x65: {  	_ =	swait.ge [sflag:s11], $0x50  }
0x66: {  	[sflag:s11] =	ssyncset.done $0x0  }
0x67: {  	[sflag:s11] =	ssyncadd.s32 $0xFFFFFFB0  }
0x68: {  	_ =	swait.ge [sflag:s11], $0x50  }
0x69: {  	s16 =	sadd.s32 $0x1, s16;
	[sflag:s11] =	ssyncset.done $0x0  }
0x6a: {  	p0 =	sne.s32 s16, s7;
	[sflag:s11] =	ssyncadd.s32 $0xFFFFFFB0  }
.Ltmp1:
0x6b: {  	[bflag:$0x0] =	sbarrier.arrive $0xFFFF;
	(pc) =	sbr.rel @p0 .LBB2_1-.Ltmp1, $4  }
0x6c: {  	[hbm:s6@s14], [sflag:s12] =	dma.strided [spmem:s13@s15], $0x50, s11, $0x10   }
0x6d: {  	_ =	swait.ge [sflag:s8], $0x50  }
0x6e: {  	[sflag:s8] =	ssyncset.done $0x0  }
0x6f: {  	[sflag:s8] =	ssyncadd.s32 $0xFFFFFFB0  }
0x70: {  	_ =	sfence.sel $0x180000  }
0x71: {  	[bflag:$0x0] =	sbarrier.arrive $0xFFFF  }
0x72: {  	p0 =	sne.s32 s1, $0x0;
	_ =	strace $0x90000047  }
0x73: {  	s0 =	sadd.s32 @!p0 $0x100000, s0;
	[bflag:$0x2] =	sbarrier.arrive $0xFFFF  }
0x74: {  	[sflag:s0] =	ssyncadd.tile.s32 @!p0 $0x1;
	_ =	shalt  }
.Lfunc_end2:
_tile_overlayer_lowered:
.L_overlay_start_2:
0x75: {  	(tag) =	ssettag $0x2  }
0x76: {  	s0 =	rddreg [dreg:$0x0];
	s2 =	stileid.u32  }
0x77: {  	s1 =	rddreg [dreg:$0x1];
	p0 =	sne.s32 s2, $0x0  }
0x78: {  	s3 =	rddreg [dreg:$0x2];
	[bflag:$0x3] =	sbarrier.arrive $0xFFFF;
	s2 =	simm.s32 @!p0 $0x1C02  }
0x79: {  	[timem:s3], [sflag:s2] =	dma.local @!p0 [hbm:s0], s1  }
0x7a: {  	s0 =	simm.s32 @!p0 $0x2  }
0x7b: {  	_ =	swait.ge @!p0 [sflag:s0], s1  }
0x7c: {  	s1 =	ssub.s32 @!p0 $0x0, s1;
	[sflag:s0] =	ssyncset.done @!p0 $0x0  }
0x7d: {  	[sflag:s0] =	ssyncadd.s32 @!p0 s1  }
0x7e: {  	[bflag:$0x3] =	sbarrier.arrive $0xFFFF  }
0x7f: {  	_ =	shalt  }

</sc_bundles>
